<compile_context>
chip_gen: v7x
topology: tpu7x:2x2x1
jax: 0.10.2.dev20260603
libtpu: 0.0.44.dev20260713+nightly
codegen_flags: <defaults>
</compile_context>

<pallas_src>
import functools

import jax
import jax.numpy as jnp
from jax import lax
from jax.experimental import pallas as pl
from jax.experimental.pallas import tpu as pltpu
from jax.experimental.pallas import tpu_sc as plsc

NC = 2
NS = 16
NW = NC * NS


def _chunk_split(epw):
    for k in range(128, 0, -1):
        if epw % k == 0:
            return epw // k, k, 0
    return None


def _mesh():
    return plsc.VectorSubcoreMesh(core_axis_name="c", subcore_axis_name="s")


def _sc_degree(dst_r, n_pad, cpt, kk):
    rpt = n_pad // NS

    @functools.partial(
        pl.kernel,
        out_type=jax.ShapeDtypeStruct((NC, n_pad), jnp.float32),
        mesh=_mesh(),
        scratch_types=[
            pltpu.VMEM((cpt, kk), jnp.int32),
            pltpu.VMEM((128,), jnp.float32),
            pltpu.VMEM((rpt,), jnp.float32),
            pltpu.VMEM_SHARED((n_pad,), jnp.float32),
        ],
    )
    def k(dst_hbm, out_hbm, dst_v, ones_v, zeros_v, acc_sh):
        c = lax.axis_index("c")
        s = lax.axis_index("s")
        wid = c * NS + s

        def fill_ones(i, _):
            ones_v[pl.ds(i * 16, 16)] = jnp.full((16,), 1.0, jnp.float32)
            return 0

        lax.fori_loop(0, 8, fill_ones, 0)

        def fill_zeros(i, _):
            zeros_v[pl.ds(i * 16, 16)] = jnp.zeros((16,), jnp.float32)
            return 0

        lax.fori_loop(0, rpt // 16, fill_zeros, 0)

        pltpu.sync_copy(zeros_v, acc_sh.at[pl.ds(s * rpt, rpt)])
        plsc.subcore_barrier()

        pltpu.sync_copy(dst_hbm.at[wid], dst_v)

        def chunk(j, _):
            pltpu.sync_copy(ones_v.at[pl.ds(0, kk)],
                            acc_sh.at[dst_v.at[j]], add=True)
            return 0

        lax.fori_loop(0, cpt, chunk, 0)
        plsc.subcore_barrier()
        pltpu.sync_copy(acc_sh.at[pl.ds(s * rpt, rpt)],
                        out_hbm.at[c, pl.ds(s * rpt, rpt)])

    return k(dst_r)


def _sc_agg(hp, src_r, dst_r, n_pad, cpt, kk, h, nbuf, sd):
    rpt = n_pad // NS
    zr = 64

    @functools.partial(
        pl.kernel,
        out_type=jax.ShapeDtypeStruct((NC, n_pad, h), jnp.float32),
        mesh=_mesh(),
        scratch_types=[
            pltpu.VMEM((cpt, kk), jnp.int32),
            pltpu.VMEM((cpt, kk), jnp.int32),
            pltpu.VMEM((nbuf, kk, h), jnp.float32),
            pltpu.VMEM((zr, h), jnp.float32),
            pltpu.SemaphoreType.DMA,
            pltpu.SemaphoreType.DMA,
            pltpu.VMEM_SHARED((n_pad, h), jnp.float32),
            pltpu.VMEM_SHARED((n_pad, h), jnp.float32),
        ],
        compiler_params=pltpu.CompilerParams(use_tc_tiling_on_sc=False),
    )
    def k(hp_hbm, src_hbm, dst_hbm, out_hbm,
          src_v, dst_v, rows_v, zer_v, sem_g, sem_s, acc_sh, hp_sh):
        c = lax.axis_index("c")
        s = lax.axis_index("s")
        wid = c * NS + s

        hvecs = h // 16

        def zf(i, _):
            zer_v[i // hvecs, pl.ds((i % hvecs) * 16, 16)] = (
                jnp.zeros((16,), jnp.float32))
            return 0

        lax.fori_loop(0, zr * hvecs, zf, 0)

        def zc(t, _):
            pltpu.sync_copy(zer_v, acc_sh.at[pl.ds(s * rpt + t * zr, zr)])
            return 0

        lax.fori_loop(0, rpt // zr, zc, 0)
        pltpu.sync_copy(hp_hbm.at[pl.ds(s * rpt, rpt)],
                        hp_sh.at[pl.ds(s * rpt, rpt)])
        plsc.subcore_barrier()

        pltpu.sync_copy(src_hbm.at[wid], src_v)
        pltpu.sync_copy(dst_hbm.at[wid], dst_v)

        for b in range(nbuf - sd):
            pltpu.async_copy(hp_sh.at[src_v.at[b]], rows_v.at[b], sem_g)

        def chunk(j, _):
            @pl.when(j >= sd)
            def _():
                pltpu.make_async_copy(
                    rows_v.at[0], acc_sh.at[dst_v.at[0]], sem_s).wait()

            g = j + nbuf - sd

            @pl.when(g < cpt)
            def _():
                pltpu.async_copy(
                    hp_sh.at[src_v.at[g]], rows_v.at[lax.rem(g, nbuf)],
                    sem_g)

            buf = lax.rem(j, nbuf)
            pltpu.make_async_copy(
                hp_sh.at[src_v.at[j]], rows_v.at[buf], sem_g).wait()
            pltpu.async_copy(
                rows_v.at[buf], acc_sh.at[dst_v.at[j]], sem_s, add=True)
            return 0

        lax.fori_loop(0, cpt, chunk, 0)
        for _ in range(sd):
            pltpu.make_async_copy(
                rows_v.at[0], acc_sh.at[dst_v.at[0]], sem_s).wait()
        plsc.subcore_barrier()
        pltpu.sync_copy(acc_sh.at[pl.ds(s * rpt, rpt)],
                        out_hbm.at[c, pl.ds(s * rpt, rpt)])

    return k(hp, src_r, dst_r)


def _tc_pre(featp, W1, degp, n_pad, blk):
    f = featp.shape[1]
    h1 = W1.shape[1]

    def body(feat_ref, w_ref, degp_ref, hp_ref, dinv_ref):
        deg = degp_ref[0, :] + degp_ref[1, :] + 1.0
        dinv = lax.rsqrt(deg)
        dinv_ref[:] = dinv
        hm = jnp.dot(feat_ref[:, :], w_ref[:, :],
                     preferred_element_type=jnp.float32)
        hp_ref[:, :] = hm * dinv[:, None]

    return pl.pallas_call(
        body,
        grid=(n_pad // blk,),
        in_specs=[
            pl.BlockSpec((blk, f), lambda i: (i, 0)),
            pl.BlockSpec((f, h1), lambda i: (0, 0)),
            pl.BlockSpec((NC, blk), lambda i: (0, i)),
        ],
        out_specs=[
            pl.BlockSpec((blk, h1), lambda i: (i, 0)),
            pl.BlockSpec((blk,), lambda i: (i,)),
        ],
        out_shape=[
            jax.ShapeDtypeStruct((n_pad, h1), jnp.float32),
            jax.ShapeDtypeStruct((n_pad,), jnp.float32),
        ],
    )(featp, W1, degp)


def _tc_mid(aggp, hp1, dinv, b1, W2, n_valid, n_pad, blk):
    h1 = hp1.shape[1]
    h2 = W2.shape[1]

    def body(aggp_ref, hp_ref, dinv_ref, b_ref, w_ref, out_ref):
        i = pl.program_id(0)
        agg = aggp_ref[0, :, :] + aggp_ref[1, :, :]
        dinv = dinv_ref[:]
        t = (agg + hp_ref[:, :]) * dinv[:, None] + b_ref[0, :]
        t = jnp.maximum(t, 0.0)
        o = jnp.dot(t, w_ref[:, :], preferred_element_type=jnp.float32)
        o = o * dinv[:, None]
        row = i * blk + lax.broadcasted_iota(jnp.int32, (blk, 1), 0)
        out_ref[:, :] = jnp.where(row < n_valid, o, 0.0)

    return pl.pallas_call(
        body,
        grid=(n_pad // blk,),
        in_specs=[
            pl.BlockSpec((NC, blk, h1), lambda i: (0, i, 0)),
            pl.BlockSpec((blk, h1), lambda i: (i, 0)),
            pl.BlockSpec((blk,), lambda i: (i,)),
            pl.BlockSpec((1, h1), lambda i: (0, 0)),
            pl.BlockSpec((h1, h2), lambda i: (0, 0)),
        ],
        out_specs=pl.BlockSpec((blk, h2), lambda i: (i, 0)),
        out_shape=jax.ShapeDtypeStruct((n_pad, h2), jnp.float32),
    )(aggp, hp1, dinv, b1, W2)


def _tc_head(aggp, hp2, dinv, b2, Wf, bf, n_valid, n_pad, blk):
    h2 = hp2.shape[1]
    c_dim = Wf.shape[1]

    def body(aggp_ref, hp_ref, dinv_ref, b_ref, wf_ref, bf_ref, out_ref):
        i = pl.program_id(0)
        agg = aggp_ref[0, :, :] + aggp_ref[1, :, :]
        dinv = dinv_ref[:]
        t = (agg + hp_ref[:, :]) * dinv[:, None] + b_ref[0, :]
        t = jnp.maximum(t, 0.0)
        row = i * blk + lax.broadcasted_iota(jnp.int32, (blk, 1), 0)
        t = jnp.where(row < n_valid, t, 0.0)
        logits = jnp.dot(t, wf_ref[:, :],
                         preferred_element_type=jnp.float32) + bf_ref[0, :]
        m = jnp.max(logits, axis=1, keepdims=True)
        lse = jnp.log(jnp.sum(jnp.exp(logits - m), axis=1, keepdims=True)) + m
        out_ref[:, :] = logits - lse

    return pl.pallas_call(
        body,
        grid=(n_pad // blk,),
        in_specs=[
            pl.BlockSpec((NC, blk, h2), lambda i: (0, i, 0)),
            pl.BlockSpec((blk, h2), lambda i: (i, 0)),
            pl.BlockSpec((blk,), lambda i: (i,)),
            pl.BlockSpec((1, h2), lambda i: (0, 0)),
            pl.BlockSpec((h2, c_dim), lambda i: (0, 0)),
            pl.BlockSpec((1, c_dim), lambda i: (0, 0)),
        ],
        out_specs=pl.BlockSpec((blk, c_dim), lambda i: (i, 0)),
        out_shape=jax.ShapeDtypeStruct((n_valid, c_dim), jnp.float32),
    )(aggp, hp2, dinv, b2, Wf, bf)


def kernel(feature, edge_index, W1, b1, W2, b2, Wf, bf):
    n, _ = feature.shape
    e = edge_index.shape[1]
    blk = 2048
    n_pad = -(-n // blk) * blk

    split = _chunk_split(e // NW) if e % NW == 0 else None
    if split is not None and split[1] >= 64:
        cpt, kk = split[0], split[1]
        src = edge_index[0]
        dst = edge_index[1]
    else:
        kk = 128
        epw = NW * kk
        e_pad = -(-e // epw) * epw
        cpt = e_pad // epw
        pad_node = n_pad - 1
        src = jnp.concatenate(
            [edge_index[0], jnp.full((e_pad - e,), pad_node, jnp.int32)])
        dst = jnp.concatenate(
            [edge_index[1], jnp.full((e_pad - e,), pad_node, jnp.int32)])
    src_r = src.reshape(NW, cpt, kk)
    dst_r = dst.reshape(NW, cpt, kk)

    degp = _sc_degree(dst_r, n_pad, cpt, kk)
    hp1, dinv = _tc_pre(feature, W1, degp, n_pad, blk)
    aggp1 = _sc_agg(hp1, src_r, dst_r, n_pad, cpt, kk, W1.shape[1], 3, 1)
    hp2 = _tc_mid(aggp1, hp1, dinv, b1.reshape(1, -1), W2, n, n_pad, blk)
    aggp2 = _sc_agg(hp2, src_r, dst_r, n_pad, cpt, kk, W2.shape[1], 8, 4)
    return _tc_head(aggp2, hp2, dinv, b2.reshape(1, -1), Wf,
                    bf.reshape(1, -1), n, n_pad, blk)

# --- scband reference (transcript-rebuilt; emitter-appended) ---
"""Pipeline reference for scband-gcnmodel-77506979823837 (READ-ONLY COPY).

The authoritative reference and input builder live on the scoring server;
editing this copy changes nothing except your own understanding.
"""

import jax, jax.numpy as jnp
import numpy as np


def gcn_conv(x, edge_index, W, b):
    # Faithful PyG GCNConv: add self-loops, symmetric deg^-1/2 normalization,
    # linear transform, scatter-add aggregation at dst, plus bias.
    N = x.shape[0]
    loop = jnp.arange(N, dtype=edge_index.dtype)
    src = jnp.concatenate([edge_index[0], loop])
    dst = jnp.concatenate([edge_index[1], loop])
    h = x @ W
    deg = jnp.zeros((N,), dtype=h.dtype).at[dst].add(1.0)
    dinv = jnp.where(deg > 0, jax.lax.rsqrt(deg), 0.0)
    norm = dinv[src] * dinv[dst]
    msg = h[src] * norm[:, None]
    out = jnp.zeros((N, h.shape[1]), dtype=h.dtype).at[dst].add(msg)
    return out + b


def setup_inputs(seed: int = 0):
    key = jax.random.key(seed)
    ks = jax.random.split(key, 8)
    N, F, H1, H2, C, E = 10000, 128, 64, 32, 40, 320000
    feature = jax.random.normal(ks[0], (N, F), dtype=jnp.float32)
    edge_index = jax.random.randint(ks[1], (2, E), 0, N, dtype=jnp.int32)
    W1 = jax.random.normal(ks[2], (F, H1), dtype=jnp.float32) * (1.0 / np.sqrt(F))
    b1 = jnp.zeros((H1,), dtype=jnp.float32)
    W2 = jax.random.normal(ks[3], (H1, H2), dtype=jnp.float32) * (1.0 / np.sqrt(H1))
    b2 = jnp.zeros((H2,), dtype=jnp.float32)
    Wf = jax.random.normal(ks[4], (H2, C), dtype=jnp.float32) * (1.0 / np.sqrt(H2))
    bf = jnp.zeros((C,), dtype=jnp.float32)
    return {"feature": feature, "edge_index": edge_index, "W1": W1, "b1": b1,
            "W2": W2, "b2": b2, "Wf": Wf, "bf": bf}


def reference(feature, edge_index, W1, b1, W2, b2, Wf, bf):
    h = gcn_conv(feature, edge_index, W1, b1)
    h = jax.nn.relu(h)
    # dropout(p=0.5) treated as identity (eval mode) for determinism
    h = gcn_conv(h, edge_index, W2, b2)
    h = jax.nn.relu(h)
    logits = h @ Wf + bf
    return jax.nn.log_softmax(logits, axis=1)

if __name__ == "__main__":
    import jax
    _d = setup_inputs()
    print(jax.jit(kernel)(*tuple(_d.values())))

</pallas_src>

<mosaic_0001>
#map = affine_map<(d0, d1) -> (0, 0)>
#map1 = affine_map<(d0, d1) -> (0, 0, 0)>
module attributes {stable_mosaic.version = 14 : i64} {
  func.func @k(%arg0: i32, %arg1: i32, %arg2: memref<10240x64xf32, #tpu.memory_space<hbm>>, %arg3: memref<32x80x125xi32, #tpu.memory_space<hbm>>, %arg4: memref<32x80x125xi32, #tpu.memory_space<hbm>>, %arg5: memref<2x10240x64xf32, #tpu.memory_space<hbm>>, %arg6: memref<80x125xi32, #tpu.memory_space<vmem>>, %arg7: memref<80x125xi32, #tpu.memory_space<vmem>>, %arg8: memref<3x125x64xf32, #tpu.memory_space<vmem>>, %arg9: memref<64x64xf32, #tpu.memory_space<vmem>>, %arg10: memref<!tpu.dma_semaphore, #tpu.memory_space<semaphore_mem>>, %arg11: memref<!tpu.dma_semaphore, #tpu.memory_space<semaphore_mem>>, %arg12: memref<10240x64xf32, #tpu.memory_space<vmem_shared>>, %arg13: memref<10240x64xf32, #tpu.memory_space<vmem_shared>>) attributes {dimension_semantics = [#tpu.dimension_semantics<core_parallel>, #tpu.dimension_semantics<subcore_parallel>], iteration_bounds = array<i64: 2, 16>, scalar_prefetch = 0 : i64, scratch_operands = 8 : i64, tpu.core_type = #tpu.core_type<sc_vector_subcore>, window_params = [{transform_indices = #map}, {transform_indices = #map1}, {transform_indices = #map1}, {transform_indices = #map1}]} {
    %mul3A = arith.constant 16 : i32
    %mul3A_0 = arith.muli %arg0, %mul3A : i32
    %add3A = arith.addi %mul3A_0, %arg1 : i32
    %scan3A = arith.constant 0 : i32
    %scan3A_1 = arith.constant 0 : i32
    %scan3A_2 = arith.constant 256 : i32
    %scan3A_3 = arith.addi %scan3A_1, %scan3A_2 : i32
    %scan3A_4 = arith.constant 1 : i32
    %scan3A_5 = scf.for %scan3A_64 = %scan3A_1 to %scan3A_3 step %scan3A_4 iter_args(%scan3A_65 = %scan3A) -> (i32)  : i32 {
      %broadcast_in_dim3A = arith.constant 0.000000e+00 : f32
      %broadcast_in_dim3A_66 = vector.broadcast %broadcast_in_dim3A : f32 to vector<16xf32>
      %jit3A = arith.constant 4 : i32
      %div3A = arith.divsi %scan3A_64, %jit3A : i32
      %sign3A = arith.constant 0 : i32
      %sign3A_67 = arith.cmpi sgt, %scan3A_64, %sign3A : i32
      %sign3A_68 = arith.extui %sign3A_67 : i1 to i32
      %sign3A_69 = arith.constant 0 : i32
      %sign3A_70 = arith.cmpi slt, %scan3A_64, %sign3A_69 : i32
      %sign3A_71 = arith.extui %sign3A_70 : i1 to i32
      %sign3A_72 = arith.subi %sign3A_68, %sign3A_71 : i32
      %sign3A_73 = arith.constant 0 : i32
      %sign3A_74 = arith.cmpi sgt, %jit3A, %sign3A_73 : i32
      %sign3A_75 = arith.extui %sign3A_74 : i1 to i32
      %sign3A_76 = arith.constant 0 : i32
      %sign3A_77 = arith.cmpi slt, %jit3A, %sign3A_76 : i32
      %sign3A_78 = arith.extui %sign3A_77 : i1 to i32
      %sign3A_79 = arith.subi %sign3A_75, %sign3A_78 : i32
      %ne3A = arith.cmpi ne, %sign3A_72, %sign3A_79 : i32
      %rem3A = arith.remsi %scan3A_64, %jit3A : i32
      %ne3A_80 = arith.constant 0 : i32
      %ne3A_81 = arith.cmpi ne, %rem3A, %ne3A_80 : i32
      %and3A = arith.andi %ne3A, %ne3A_81 : i1
      %sub3A = arith.constant 1 : i32
      %sub3A_82 = arith.subi %div3A, %sub3A : i32
      %select_n3A = arith.select %and3A, %sub3A_82, %div3A : i32
      %jit3A_83 = arith.constant 4 : i32
      %eq3A = arith.constant 0 : i32
      %eq3A_84 = arith.cmpi eq, %jit3A_83, %eq3A : i32
      %jit3A_85 = arith.constant 1 : i32
      %select_n3A_86 = arith.select %eq3A_84, %jit3A_85, %jit3A_83 : i32
      %rem3A_87 = arith.remsi %scan3A_64, %select_n3A_86 : i32
      %ne3A_88 = arith.constant 0 : i32
      %ne3A_89 = arith.cmpi ne, %rem3A_87, %ne3A_88 : i32
      %lt3A = arith.constant 0 : i32
      %lt3A_90 = arith.cmpi slt, %rem3A_87, %lt3A : i32
      %lt3A_91 = arith.constant 0 : i32
      %lt3A_92 = arith.cmpi slt, %select_n3A_86, %lt3A_91 : i32
      %ne3A_93 = arith.xori %lt3A_90, %lt3A_92 : i1
      %and3A_94 = arith.andi %ne3A_93, %ne3A_89 : i1
      %add3A_95 = arith.addi %rem3A_87, %select_n3A_86 : i32
      %select_n3A_96 = arith.select %and3A_94, %add3A_95, %rem3A_87 : i32
      %mul3A_97 = arith.constant 16 : i32
      %mul3A_98 = arith.muli %select_n3A_96, %mul3A_97 : i32
      %swap3A = arith.index_cast %select_n3A : i32 to index
      %swap3A_99 = arith.index_cast %mul3A_98 : i32 to index
      %swap3A_100 = tpu.vector_load %arg9[%swap3A, %swap3A_99] {strides = array<i32>} : memref<64x64xf32, #tpu.memory_space<vmem>>, vector<1x16xf32>,
      %swap3A_101 = vector.shape_cast %swap3A_100 : vector<1x16xf32> to vector<16xf32>
      %swap3A_102 = vector.shape_cast %broadcast_in_dim3A_66 : vector<16xf32> to vector<1x16xf32>
      tpu.vector_store %arg9[%swap3A, %swap3A_99], %swap3A_102 {strides = array<i32>} : memref<64x64xf32, #tpu.memory_space<vmem>>, vector<1x16xf32>,
      %scan3A_103 = arith.constant 0 : i32
      scf.yield %scan3A_103 : i32
    }
    %scan3A_6 = arith.constant 256 : i32
    %scan3A_7 = arith.constant 0 : i32
    %scan3A_8 = arith.constant 0 : i32
    %scan3A_9 = arith.constant 10 : i32
    %scan3A_10 = arith.addi %scan3A_8, %scan3A_9 : i32
    %scan3A_11 = arith.constant 1 : i32
    %scan3A_12 = scf.for %scan3A_64 = %scan3A_8 to %scan3A_10 step %scan3A_11 iter_args(%scan3A_65 = %scan3A_7) -> (i32)  : i32 {
      %mul3A_66 = arith.constant 640 : i32
      %mul3A_67 = arith.muli %arg1, %mul3A_66 : i32
      %mul3A_68 = arith.constant 64 : i32
      %mul3A_69 = arith.muli %scan3A_64, %mul3A_68 : i32
      %add3A_70 = arith.addi %mul3A_67, %mul3A_69 : i32
      "tpu.region"() ({
        %run_scoped3A = tpu.sem_alloc : memref<!tpu.dma_semaphore, #tpu.memory_space<semaphore_mem>>
        %dma_start3A_72 = arith.constant 0 : i32
        %dma_start3A_73 = tpu.memref_slice %arg12[%add3A_70, %dma_start3A_72] : memref<10240x64xf32, #tpu.memory_space<vmem_shared>> -> memref<64x64xf32, #tpu.memory_space<vmem_shared>>
        %dma_start3A_74 = arith.constant 0 : i32
        %dma_start3A_75 = tpu.memref_slice %arg12[%add3A_70, %dma_start3A_74] : memref<10240x64xf32, #tpu.memory_space<vmem_shared>> -> memref<64x64xf32, #tpu.memory_space<vmem_shared>>
        tpu.enqueue_dma source(%arg9 : memref<64x64xf32, #tpu.memory_space<vmem>>) target(%dma_start3A_75 : memref<64x64xf32, #tpu.memory_space<vmem_shared>>) target_semaphore(%run_scoped3A : memref<!tpu.dma_semaphore, #tpu.memory_space<semaphore_mem>>)
        %dma_wait3A_76 = arith.constant 0 : i32
        %dma_wait3A_77 = tpu.memref_slice %arg12[%add3A_70, %dma_wait3A_76] : memref<10240x64xf32, #tpu.memory_space<vmem_shared>> -> memref<64x64xf32, #tpu.memory_space<vmem_shared>>
        %dma_wait3A_78 = arith.constant 0 : i32
        %dma_wait3A_79 = tpu.memref_slice %arg12[%add3A_70, %dma_wait3A_78] : memref<10240x64xf32, #tpu.memory_space<vmem_shared>> -> memref<64x64xf32, #tpu.memory_space<vmem_shared>>
        tpu.wait_dma2 semaphore(%run_scoped3A : memref<!tpu.dma_semaphore, #tpu.memory_space<semaphore_mem>>) src(%arg9 : memref<64x64xf32, #tpu.memory_space<vmem>>) dst(%dma_wait3A_79 : memref<64x64xf32, #tpu.memory_space<vmem_shared>>)
        tpu.yield
      }) : () -> ()
      %scan3A_71 = arith.constant 0 : i32
      scf.yield %scan3A_71 : i32
    }
    %scan3A_13 = arith.constant 10 : i32
    %mul3A_14 = arith.constant 640 : i32
    %mul3A_15 = arith.muli %arg1, %mul3A_14 : i32
    %mul3A_16 = arith.constant 640 : i32
    %mul3A_17 = arith.muli %arg1, %mul3A_16 : i32
    "tpu.region"() ({
      %run_scoped3A = tpu.sem_alloc : memref<!tpu.dma_semaphore, #tpu.memory_space<semaphore_mem>>
      %dma_start3A_64 = arith.constant 0 : i32
      %dma_start3A_65 = tpu.memref_slice %arg13[%mul3A_17, %dma_start3A_64] : memref<10240x64xf32, #tpu.memory_space<vmem_shared>> -> memref<640x64xf32, #tpu.memory_space<vmem_shared>>
      %dma_start3A_66 = arith.constant 0 : i32
      %dma_start3A_67 = tpu.memref_slice %arg2[%mul3A_15, %dma_start3A_66] : memref<10240x64xf32, #tpu.memory_space<hbm>> -> memref<640x64xf32, #tpu.memory_space<hbm>>
      tpu.enqueue_dma source(%dma_start3A_67 : memref<640x64xf32, #tpu.memory_space<hbm>>) target(%dma_start3A_65 : memref<640x64xf32, #tpu.memory_space<vmem_shared>>) target_semaphore(%run_scoped3A : memref<!tpu.dma_semaphore, #tpu.memory_space<semaphore_mem>>)
      %dma_wait3A_68 = arith.constant 0 : i32
      %dma_wait3A_69 = tpu.memref_slice %arg13[%mul3A_17, %dma_wait3A_68] : memref<10240x64xf32, #tpu.memory_space<vmem_shared>> -> memref<640x64xf32, #tpu.memory_space<vmem_shared>>
      %dma_wait3A_70 = arith.constant 0 : i32
      %dma_wait3A_71 = tpu.memref_slice %arg2[%mul3A_15, %dma_wait3A_70] : memref<10240x64xf32, #tpu.memory_space<hbm>> -> memref<640x64xf32, #tpu.memory_space<hbm>>
      tpu.wait_dma2 semaphore(%run_scoped3A : memref<!tpu.dma_semaphore, #tpu.memory_space<semaphore_mem>>) src(%dma_wait3A_71 : memref<640x64xf32, #tpu.memory_space<hbm>>) dst(%dma_wait3A_69 : memref<640x64xf32, #tpu.memory_space<vmem_shared>>)
      tpu.yield
    }) : () -> ()
    %barrier3A = arith.constant 0 : index
    tpu.barrier barrier_id(%barrier3A)
    "tpu.region"() ({
      %run_scoped3A = tpu.sem_alloc : memref<!tpu.dma_semaphore, #tpu.memory_space<semaphore_mem>>
      %dma_start3A_64 = arith.constant 0 : i32
      %dma_start3A_65 = arith.constant 0 : i32
      %dma_start3A_66 = tpu.memref_slice %arg3[%add3A, %dma_start3A_64, %dma_start3A_65] : memref<32x80x125xi32, #tpu.memory_space<hbm>> -> memref<1x80x125xi32, #tpu.memory_space<hbm>>
      %dma_start3A_67 = tpu.memref_squeeze %dma_start3A_66 : memref<1x80x125xi32, #tpu.memory_space<hbm>> -> memref<80x125xi32, #tpu.memory_space<hbm>>
      %dma_start3A_68 = arith.constant 0 : i32
      %dma_start3A_69 = arith.constant 0 : i32
      %dma_start3A_70 = tpu.memref_slice %arg3[%add3A, %dma_start3A_68, %dma_start3A_69] : memref<32x80x125xi32, #tpu.memory_space<hbm>> -> memref<1x80x125xi32, #tpu.memory_space<hbm>>
      %dma_start3A_71 = tpu.memref_squeeze %dma_start3A_70 : memref<1x80x125xi32, #tpu.memory_space<hbm>> -> memref<80x125xi32, #tpu.memory_space<hbm>>
      tpu.enqueue_dma source(%dma_start3A_71 : memref<80x125xi32, #tpu.memory_space<hbm>>) target(%arg6 : memref<80x125xi32, #tpu.memory_space<vmem>>) target_semaphore(%run_scoped3A : memref<!tpu.dma_semaphore, #tpu.memory_space<semaphore_mem>>)
      %dma_wait3A_72 = arith.constant 0 : i32
      %dma_wait3A_73 = arith.constant 0 : i32
      %dma_wait3A_74 = tpu.memref_slice %arg3[%add3A, %dma_wait3A_72, %dma_wait3A_73] : memref<32x80x125xi32, #tpu.memory_space<hbm>> -> memref<1x80x125xi32, #tpu.memory_space<hbm>>
      %dma_wait3A_75 = tpu.memref_squeeze %dma_wait3A_74 : memref<1x80x125xi32, #tpu.memory_space<hbm>> -> memref<80x125xi32, #tpu.memory_space<hbm>>
      %dma_wait3A_76 = arith.constant 0 : i32
      %dma_wait3A_77 = arith.constant 0 : i32
      %dma_wait3A_78 = tpu.memref_slice %arg3[%add3A, %dma_wait3A_76, %dma_wait3A_77] : memref<32x80x125xi32, #tpu.memory_space<hbm>> -> memref<1x80x125xi32, #tpu.memory_space<hbm>>
      %dma_wait3A_79 = tpu.memref_squeeze %dma_wait3A_78 : memref<1x80x125xi32, #tpu.memory_space<hbm>> -> memref<80x125xi32, #tpu.memory_space<hbm>>
      tpu.wait_dma2 semaphore(%run_scoped3A : memref<!tpu.dma_semaphore, #tpu.memory_space<semaphore_mem>>) src(%dma_wait3A_79 : memref<80x125xi32, #tpu.memory_space<hbm>>) dst(%arg6 : memref<80x125xi32, #tpu.memory_space<vmem>>)
      tpu.yield
    }) : () -> ()
    "tpu.region"() ({
      %run_scoped3A = tpu.sem_alloc : memref<!tpu.dma_semaphore, #tpu.memory_space<semaphore_mem>>
      %dma_start3A_64 = arith.constant 0 : i32
      %dma_start3A_65 = arith.constant 0 : i32
      %dma_start3A_66 = tpu.memref_slice %arg4[%add3A, %dma_start3A_64, %dma_start3A_65] : memref<32x80x125xi32, #tpu.memory_space<hbm>> -> memref<1x80x125xi32, #tpu.memory_space<hbm>>
      %dma_start3A_67 = tpu.memref_squeeze %dma_start3A_66 : memref<1x80x125xi32, #tpu.memory_space<hbm>> -> memref<80x125xi32, #tpu.memory_space<hbm>>
      %dma_start3A_68 = arith.constant 0 : i32
      %dma_start3A_69 = arith.constant 0 : i32
      %dma_start3A_70 = tpu.memref_slice %arg4[%add3A, %dma_start3A_68, %dma_start3A_69] : memref<32x80x125xi32, #tpu.memory_space<hbm>> -> memref<1x80x125xi32, #tpu.memory_space<hbm>>
      %dma_start3A_71 = tpu.memref_squeeze %dma_start3A_70 : memref<1x80x125xi32, #tpu.memory_space<hbm>> -> memref<80x125xi32, #tpu.memory_space<hbm>>
      tpu.enqueue_dma source(%dma_start3A_71 : memref<80x125xi32, #tpu.memory_space<hbm>>) target(%arg7 : memref<80x125xi32, #tpu.memory_space<vmem>>) target_semaphore(%run_scoped3A : memref<!tpu.dma_semaphore, #tpu.memory_space<semaphore_mem>>)
      %dma_wait3A_72 = arith.constant 0 : i32
      %dma_wait3A_73 = arith.constant 0 : i32
      %dma_wait3A_74 = tpu.memref_slice %arg4[%add3A, %dma_wait3A_72, %dma_wait3A_73] : memref<32x80x125xi32, #tpu.memory_space<hbm>> -> memref<1x80x125xi32, #tpu.memory_space<hbm>>
      %dma_wait3A_75 = tpu.memref_squeeze %dma_wait3A_74 : memref<1x80x125xi32, #tpu.memory_space<hbm>> -> memref<80x125xi32, #tpu.memory_space<hbm>>
      %dma_wait3A_76 = arith.constant 0 : i32
      %dma_wait3A_77 = arith.constant 0 : i32
      %dma_wait3A_78 = tpu.memref_slice %arg4[%add3A, %dma_wait3A_76, %dma_wait3A_77] : memref<32x80x125xi32, #tpu.memory_space<hbm>> -> memref<1x80x125xi32, #tpu.memory_space<hbm>>
      %dma_wait3A_79 = tpu.memref_squeeze %dma_wait3A_78 : memref<1x80x125xi32, #tpu.memory_space<hbm>> -> memref<80x125xi32, #tpu.memory_space<hbm>>
      tpu.wait_dma2 semaphore(%run_scoped3A : memref<!tpu.dma_semaphore, #tpu.memory_space<semaphore_mem>>) src(%dma_wait3A_79 : memref<80x125xi32, #tpu.memory_space<hbm>>) dst(%arg7 : memref<80x125xi32, #tpu.memory_space<vmem>>)
      tpu.yield
    }) : () -> ()
    %dma_start3A = arith.constant 0 : i32
    %dma_start3A_18 = arith.constant 0 : i32
    %dma_start3A_19 = arith.constant 0 : i32
    %dma_start3A_20 = arith.constant 0 : i32
    %dma_start3A_21 = tpu.memref_slice %arg8[%dma_start3A_18, %dma_start3A_19, %dma_start3A_20] : memref<3x125x64xf32, #tpu.memory_space<vmem>> -> memref<1x125x64xf32, #tpu.memory_space<vmem>>
    %dma_start3A_22 = tpu.memref_squeeze %dma_start3A_21 : memref<1x125x64xf32, #tpu.memory_space<vmem>> -> memref<125x64xf32, #tpu.memory_space<vmem>>
    %dma_start3A_23 = arith.constant 0 : i32
    %dma_start3A_24 = tpu.memref_slice %arg6[%dma_start3A, %dma_start3A_23] : memref<80x125xi32, #tpu.memory_space<vmem>> -> memref<1x125xi32, #tpu.memory_space<vmem>>
    %dma_start3A_25 = tpu.memref_squeeze %dma_start3A_24 : memref<1x125xi32, #tpu.memory_space<vmem>> -> memref<125xi32, #tpu.memory_space<vmem>>
    %dma_start3A_26 = arith.constant 0 : i32
    %dma_start3A_27 = arith.constant 0 : i32
    %dma_start3A_28 = tpu.memref_slice %arg13[%dma_start3A_26, %dma_start3A_27] : memref<10240x64xf32, #tpu.memory_space<vmem_shared>> -> memref<10240x64xf32, #tpu.memory_space<vmem_shared>>
    tpu.enqueue_indirect_dma source(%dma_start3A_28 : memref<10240x64xf32, #tpu.memory_space<vmem_shared>>) target(%dma_start3A_22 : memref<125x64xf32, #tpu.memory_space<vmem>>) offsets(%dma_start3A_25 : memref<125xi32, #tpu.memory_space<vmem>>) semaphore(%arg10 : memref<!tpu.dma_semaphore, #tpu.memory_space<semaphore_mem>>)
    %dma_start3A_29 = arith.constant 1 : i32
    %dma_start3A_30 = arith.constant 1 : i32
    %dma_start3A_31 = arith.constant 0 : i32
    %dma_start3A_32 = arith.constant 0 : i32
    %dma_start3A_33 = tpu.memref_slice %arg8[%dma_start3A_30, %dma_start3A_31, %dma_start3A_32] : memref<3x125x64xf32, #tpu.memory_space<vmem>> -> memref<1x125x64xf32, #tpu.memory_space<vmem>>
    %dma_start3A_34 = tpu.memref_squeeze %dma_start3A_33 : memref<1x125x64xf32, #tpu.memory_space<vmem>> -> memref<125x64xf32, #tpu.memory_space<vmem>>
    %dma_start3A_35 = arith.constant 0 : i32
    %dma_start3A_36 = tpu.memref_slice %arg6[%dma_start3A_29, %dma_start3A_35] : memref<80x125xi32, #tpu.memory_space<vmem>> -> memref<1x125xi32, #tpu.memory_space<vmem>>
    %dma_start3A_37 = tpu.memref_squeeze %dma_start3A_36 : memref<1x125xi32, #tpu.memory_space<vmem>> -> memref<125xi32, #tpu.memory_space<vmem>>
    %dma_start3A_38 = arith.constant 0 : i32
    %dma_start3A_39 = arith.constant 0 : i32
    %dma_start3A_40 = tpu.memref_slice %arg13[%dma_start3A_38, %dma_start3A_39] : memref<10240x64xf32, #tpu.memory_space<vmem_shared>> -> memref<10240x64xf32, #tpu.memory_space<vmem_shared>>
    tpu.enqueue_indirect_dma source(%dma_start3A_40 : memref<10240x64xf32, #tpu.memory_space<vmem_shared>>) target(%dma_start3A_34 : memref<125x64xf32, #tpu.memory_space<vmem>>) offsets(%dma_start3A_37 : memref<125xi32, #tpu.memory_space<vmem>>) semaphore(%arg10 : memref<!tpu.dma_semaphore, #tpu.memory_space<semaphore_mem>>)
    %scan3A_41 = arith.constant 0 : i32
    %scan3A_42 = arith.constant 0 : i32
    %scan3A_43 = arith.constant 80 : i32
    %scan3A_44 = arith.addi %scan3A_42, %scan3A_43 : i32
    %scan3A_45 = arith.constant 1 : i32
    %scan3A_46 = scf.for %scan3A_64 = %scan3A_42 to %scan3A_44 step %scan3A_45 iter_args(%scan3A_65 = %scan3A_41) -> (i32)  : i32 {
      %ge3A = arith.constant 1 : i32
      %ge3A_66 = arith.cmpi sge, %scan3A_64, %ge3A : i32
      %convert_element_type3A = arith.extui %ge3A_66 : i1 to i32
      %cond3A = arith.constant 0 : i32
      %cond3A_67 = arith.cmpi ne, %convert_element_type3A, %cond3A : i32
      scf.if %cond3A_67 {
        %dma_wait3A_97 = arith.constant 0 : i32
        %dma_wait3A_98 = arith.constant 0 : i32
        %dma_wait3A_99 = arith.constant 0 : i32
        %dma_wait3A_100 = arith.constant 0 : i32
        %dma_wait3A_101 = tpu.memref_slice %arg8[%dma_wait3A_97, %dma_wait3A_99, %dma_wait3A_100] : memref<3x125x64xf32, #tpu.memory_space<vmem>> -> memref<1x125x64xf32, #tpu.memory_space<vmem>>
        %dma_wait3A_102 = tpu.memref_squeeze %dma_wait3A_101 : memref<1x125x64xf32, #tpu.memory_space<vmem>> -> memref<125x64xf32, #tpu.memory_space<vmem>>
        %dma_wait3A_103 = arith.constant 0 : i32
        %dma_wait3A_104 = tpu.memref_slice %arg7[%dma_wait3A_98, %dma_wait3A_103] : memref<80x125xi32, #tpu.memory_space<vmem>> -> memref<1x125xi32, #tpu.memory_space<vmem>>
        %dma_wait3A_105 = tpu.memref_squeeze %dma_wait3A_104 : memref<1x125xi32, #tpu.memory_space<vmem>> -> memref<125xi32, #tpu.memory_space<vmem>>
        %dma_wait3A_106 = arith.constant 0 : i32
        %dma_wait3A_107 = arith.constant 0 : i32
        %dma_wait3A_108 = tpu.memref_slice %arg12[%dma_wait3A_106, %dma_wait3A_107] : memref<10240x64xf32, #tpu.memory_space<vmem_shared>> -> memref<10240x64xf32, #tpu.memory_space<vmem_shared>>
        tpu.wait_indirect_dma semaphore(%arg11 : memref<!tpu.dma_semaphore, #tpu.memory_space<semaphore_mem>>) src(%dma_wait3A_102 : memref<125x64xf32, #tpu.memory_space<vmem>>) dst(%dma_wait3A_108 : memref<10240x64xf32, #tpu.memory_space<vmem_shared>>)
      } else {
      }
      %add3A_68 = arith.constant 3 : i32
      %add3A_69 = arith.addi %scan3A_64, %add3A_68 : i32
      %sub3A = arith.constant 1 : i32
      %sub3A_70 = arith.subi %add3A_69, %sub3A : i32
      %lt3A = arith.constant 80 : i32
      %lt3A_71 = arith.cmpi slt, %sub3A_70, %lt3A : i32
      %convert_element_type3A_72 = arith.extui %lt3A_71 : i1 to i32
      %cond3A_73 = arith.constant 0 : i32
      %cond3A_74 = arith.cmpi ne, %convert_element_type3A_72, %cond3A_73 : i32
      scf.if %cond3A_74 {
        %rem3A_97 = arith.constant 3 : i32
        %rem3A_98 = arith.remsi %sub3A_70, %rem3A_97 : i32
        %dma_start3A_99 = arith.constant 0 : i32
        %dma_start3A_100 = arith.constant 0 : i32
        %dma_start3A_101 = tpu.memref_slice %arg8[%rem3A_98, %dma_start3A_99, %dma_start3A_100] : memref<3x125x64xf32, #tpu.memory_space<vmem>> -> memref<1x125x64xf32, #tpu.memory_space<vmem>>
        %dma_start3A_102 = tpu.memref_squeeze %dma_start3A_101 : memref<1x125x64xf32, #tpu.memory_space<vmem>> -> memref<125x64xf32, #tpu.memory_space<vmem>>
        %dma_start3A_103 = arith.constant 0 : i32
        %dma_start3A_104 = tpu.memref_slice %arg6[%sub3A_70, %dma_start3A_103] : memref<80x125xi32, #tpu.memory_space<vmem>> -> memref<1x125xi32, #tpu.memory_space<vmem>>
        %dma_start3A_105 = tpu.memref_squeeze %dma_start3A_104 : memref<1x125xi32, #tpu.memory_space<vmem>> -> memref<125xi32, #tpu.memory_space<vmem>>
        %dma_start3A_106 = arith.constant 0 : i32
        %dma_start3A_107 = arith.constant 0 : i32
        %dma_start3A_108 = tpu.memref_slice %arg13[%dma_start3A_106, %dma_start3A_107] : memref<10240x64xf32, #tpu.memory_space<vmem_shared>> -> memref<10240x64xf32, #tpu.memory_space<vmem_shared>>
        tpu.enqueue_indirect_dma source(%dma_start3A_108 : memref<10240x64xf32, #tpu.memory_space<vmem_shared>>) target(%dma_start3A_102 : memref<125x64xf32, #tpu.memory_space<vmem>>) offsets(%dma_start3A_105 : memref<125xi32, #tpu.memory_space<vmem>>) semaphore(%arg10 : memref<!tpu.dma_semaphore, #tpu.memory_space<semaphore_mem>>)
      } else {
      }
      %rem3A = arith.constant 3 : i32
      %rem3A_75 = arith.remsi %scan3A_64, %rem3A : i32
      %dma_wait3A_76 = arith.constant 0 : i32
      %dma_wait3A_77 = arith.constant 0 : i32
      %dma_wait3A_78 = tpu.memref_slice %arg8[%rem3A_75, %dma_wait3A_76, %dma_wait3A_77] : memref<3x125x64xf32, #tpu.memory_space<vmem>> -> memref<1x125x64xf32, #tpu.memory_space<vmem>>
      %dma_wait3A_79 = tpu.memref_squeeze %dma_wait3A_78 : memref<1x125x64xf32, #tpu.memory_space<vmem>> -> memref<125x64xf32, #tpu.memory_space<vmem>>
      %dma_wait3A_80 = arith.constant 0 : i32
      %dma_wait3A_81 = tpu.memref_slice %arg6[%scan3A_64, %dma_wait3A_80] : memref<80x125xi32, #tpu.memory_space<vmem>> -> memref<1x125xi32, #tpu.memory_space<vmem>>
      %dma_wait3A_82 = tpu.memref_squeeze %dma_wait3A_81 : memref<1x125xi32, #tpu.memory_space<vmem>> -> memref<125xi32, #tpu.memory_space<vmem>>
      %dma_wait3A_83 = arith.constant 0 : i32
      %dma_wait3A_84 = arith.constant 0 : i32
      %dma_wait3A_85 = tpu.memref_slice %arg13[%dma_wait3A_83, %dma_wait3A_84] : memref<10240x64xf32, #tpu.memory_space<vmem_shared>> -> memref<10240x64xf32, #tpu.memory_space<vmem_shared>>
      tpu.wait_indirect_dma semaphore(%arg10 : memref<!tpu.dma_semaphore, #tpu.memory_space<semaphore_mem>>) src(%dma_wait3A_85 : memref<10240x64xf32, #tpu.memory_space<vmem_shared>>) dst(%dma_wait3A_79 : memref<125x64xf32, #tpu.memory_space<vmem>>)
      %dma_start3A_86 = arith.constant 0 : i32
      %dma_start3A_87 = arith.constant 0 : i32
      %dma_start3A_88 = tpu.memref_slice %arg8[%rem3A_75, %dma_start3A_86, %dma_start3A_87] : memref<3x125x64xf32, #tpu.memory_space<vmem>> -> memref<1x125x64xf32, #tpu.memory_space<vmem>>
      %dma_start3A_89 = tpu.memref_squeeze %dma_start3A_88 : memref<1x125x64xf32, #tpu.memory_space<vmem>> -> memref<125x64xf32, #tpu.memory_space<vmem>>
      %dma_start3A_90 = arith.constant 0 : i32
      %dma_start3A_91 = tpu.memref_slice %arg7[%scan3A_64, %dma_start3A_90] : memref<80x125xi32, #tpu.memory_space<vmem>> -> memref<1x125xi32, #tpu.memory_space<vmem>>
      %dma_start3A_92 = tpu.memref_squeeze %dma_start3A_91 : memref<1x125xi32, #tpu.memory_space<vmem>> -> memref<125xi32, #tpu.memory_space<vmem>>
      %dma_start3A_93 = arith.constant 0 : i32
      %dma_start3A_94 = arith.constant 0 : i32
      %dma_start3A_95 = tpu.memref_slice %arg12[%dma_start3A_93, %dma_start3A_94] : memref<10240x64xf32, #tpu.memory_space<vmem_shared>> -> memref<10240x64xf32, #tpu.memory_space<vmem_shared>>
      tpu.enqueue_indirect_dma source(%dma_start3A_89 : memref<125x64xf32, #tpu.memory_space<vmem>>) target(%dma_start3A_95 : memref<10240x64xf32, #tpu.memory_space<vmem_shared>>) offsets(%dma_start3A_92 : memref<125xi32, #tpu.memory_space<vmem>>) semaphore(%arg11 : memref<!tpu.dma_semaphore, #tpu.memory_space<semaphore_mem>>) {add = true}
      %scan3A_96 = arith.constant 0 : i32
      scf.yield %scan3A_96 : i32
    }
    %scan3A_47 = arith.constant 80 : i32
    %dma_wait3A = arith.constant 0 : i32
    %dma_wait3A_48 = arith.constant 0 : i32
    %dma_wait3A_49 = arith.constant 0 : i32
    %dma_wait3A_50 = arith.constant 0 : i32
    %dma_wait3A_51 = tpu.memref_slice %arg8[%dma_wait3A, %dma_wait3A_49, %dma_wait3A_50] : memref<3x125x64xf32, #tpu.memory_space<vmem>> -> memref<1x125x64xf32, #tpu.memory_space<vmem>>
    %dma_wait3A_52 = tpu.memref_squeeze %dma_wait3A_51 : memref<1x125x64xf32, #tpu.memory_space<vmem>> -> memref<125x64xf32, #tpu.memory_space<vmem>>
    %dma_wait3A_53 = arith.constant 0 : i32
    %dma_wait3A_54 = tpu.memref_slice %arg7[%dma_wait3A_48, %dma_wait3A_53] : memref<80x125xi32, #tpu.memory_space<vmem>> -> memref<1x125xi32, #tpu.memory_space<vmem>>
    %dma_wait3A_55 = tpu.memref_squeeze %dma_wait3A_54 : memref<1x125xi32, #tpu.memory_space<vmem>> -> memref<125xi32, #tpu.memory_space<vmem>>
    %dma_wait3A_56 = arith.constant 0 : i32
    %dma_wait3A_57 = arith.constant 0 : i32
    %dma_wait3A_58 = tpu.memref_slice %arg12[%dma_wait3A_56, %dma_wait3A_57] : memref<10240x64xf32, #tpu.memory_space<vmem_shared>> -> memref<10240x64xf32, #tpu.memory_space<vmem_shared>>
    tpu.wait_indirect_dma semaphore(%arg11 : memref<!tpu.dma_semaphore, #tpu.memory_space<semaphore_mem>>) src(%dma_wait3A_52 : memref<125x64xf32, #tpu.memory_space<vmem>>) dst(%dma_wait3A_58 : memref<10240x64xf32, #tpu.memory_space<vmem_shared>>)
    %barrier3A_59 = arith.constant 0 : index
    tpu.barrier barrier_id(%barrier3A_59)
    %mul3A_60 = arith.constant 640 : i32
    %mul3A_61 = arith.muli %arg1, %mul3A_60 : i32
    %mul3A_62 = arith.constant 640 : i32
    %mul3A_63 = arith.muli %arg1, %mul3A_62 : i32
    "tpu.region"() ({
      %run_scoped3A = tpu.sem_alloc : memref<!tpu.dma_semaphore, #tpu.memory_space<semaphore_mem>>
      %dma_start3A_64 = arith.constant 0 : i32
      %dma_start3A_65 = tpu.memref_slice %arg5[%arg0, %mul3A_63, %dma_start3A_64] : memref<2x10240x64xf32, #tpu.memory_space<hbm>> -> memref<1x640x64xf32, #tpu.memory_space<hbm>>
      %dma_start3A_66 = tpu.memref_squeeze %dma_start3A_65 : memref<1x640x64xf32, #tpu.memory_space<hbm>> -> memref<640x64xf32, #tpu.memory_space<hbm>>
      %dma_start3A_67 = arith.constant 0 : i32
      %dma_start3A_68 = tpu.memref_slice %arg12[%mul3A_61, %dma_start3A_67] : memref<10240x64xf32, #tpu.memory_space<vmem_shared>> -> memref<640x64xf32, #tpu.memory_space<vmem_shared>>
      tpu.enqueue_dma source(%dma_start3A_68 : memref<640x64xf32, #tpu.memory_space<vmem_shared>>) target(%dma_start3A_66 : memref<640x64xf32, #tpu.memory_space<hbm>>) target_semaphore(%run_scoped3A : memref<!tpu.dma_semaphore, #tpu.memory_space<semaphore_mem>>)
      %dma_wait3A_69 = arith.constant 0 : i32
      %dma_wait3A_70 = tpu.memref_slice %arg5[%arg0, %mul3A_63, %dma_wait3A_69] : memref<2x10240x64xf32, #tpu.memory_space<hbm>> -> memref<1x640x64xf32, #tpu.memory_space<hbm>>
      %dma_wait3A_71 = tpu.memref_squeeze %dma_wait3A_70 : memref<1x640x64xf32, #tpu.memory_space<hbm>> -> memref<640x64xf32, #tpu.memory_space<hbm>>
      %dma_wait3A_72 = arith.constant 0 : i32
      %dma_wait3A_73 = tpu.memref_slice %arg12[%mul3A_61, %dma_wait3A_72] : memref<10240x64xf32, #tpu.memory_space<vmem_shared>> -> memref<640x64xf32, #tpu.memory_space<vmem_shared>>
      tpu.wait_dma2 semaphore(%run_scoped3A : memref<!tpu.dma_semaphore, #tpu.memory_space<semaphore_mem>>) src(%dma_wait3A_73 : memref<640x64xf32, #tpu.memory_space<vmem_shared>>) dst(%dma_wait3A_71 : memref<640x64xf32, #tpu.memory_space<hbm>>)
      tpu.yield
    }) : () -> ()
    return
  }
}

#map = affine_map<(d0, d1) -> (0, 0)>
#map1 = affine_map<(d0, d1) -> (0, 0, 0)>
module attributes {stable_mosaic.version = 14 : i64} {
  func.func @k(%arg0: i32, %arg1: i32, %arg2: memref<10240x32xf32, #tpu.memory_space<hbm>>, %arg3: memref<32x80x125xi32, #tpu.memory_space<hbm>>, %arg4: memref<32x80x125xi32, #tpu.memory_space<hbm>>, %arg5: memref<2x10240x32xf32, #tpu.memory_space<hbm>>, %arg6: memref<80x125xi32, #tpu.memory_space<vmem>>, %arg7: memref<80x125xi32, #tpu.memory_space<vmem>>, %arg8: memref<8x125x32xf32, #tpu.memory_space<vmem>>, %arg9: memref<64x32xf32, #tpu.memory_space<vmem>>, %arg10: memref<!tpu.dma_semaphore, #tpu.memory_space<semaphore_mem>>, %arg11: memref<!tpu.dma_semaphore, #tpu.memory_space<semaphore_mem>>, %arg12: memref<10240x32xf32, #tpu.memory_space<vmem_shared>>, %arg13: memref<10240x32xf32, #tpu.memory_space<vmem_shared>>) attributes {dimension_semantics = [#tpu.dimension_semantics<core_parallel>, #tpu.dimension_semantics<subcore_parallel>], iteration_bounds = array<i64: 2, 16>, scalar_prefetch = 0 : i64, scratch_operands = 8 : i64, tpu.core_type = #tpu.core_type<sc_vector_subcore>, window_params = [{transform_indices = #map}, {transform_indices = #map1}, {transform_indices = #map1}, {transform_indices = #map1}]} {
    %mul3A = arith.constant 16 : i32
    %mul3A_0 = arith.muli %arg0, %mul3A : i32
    %add3A = arith.addi %mul3A_0, %arg1 : i32
    %scan3A = arith.constant 0 : i32
    %scan3A_1 = arith.constant 0 : i32
    %scan3A_2 = arith.constant 128 : i32
    %scan3A_3 = arith.addi %scan3A_1, %scan3A_2 : i32
    %scan3A_4 = arith.constant 1 : i32
    %scan3A_5 = scf.for %scan3A_124 = %scan3A_1 to %scan3A_3 step %scan3A_4 iter_args(%scan3A_125 = %scan3A) -> (i32)  : i32 {
      %broadcast_in_dim3A = arith.constant 0.000000e+00 : f32
      %broadcast_in_dim3A_126 = vector.broadcast %broadcast_in_dim3A : f32 to vector<16xf32>
      %jit3A = arith.constant 2 : i32
      %div3A = arith.divsi %scan3A_124, %jit3A : i32
      %sign3A = arith.constant 0 : i32
      %sign3A_127 = arith.cmpi sgt, %scan3A_124, %sign3A : i32
      %sign3A_128 = arith.extui %sign3A_127 : i1 to i32
      %sign3A_129 = arith.constant 0 : i32
      %sign3A_130 = arith.cmpi slt, %scan3A_124, %sign3A_129 : i32
      %sign3A_131 = arith.extui %sign3A_130 : i1 to i32
      %sign3A_132 = arith.subi %sign3A_128, %sign3A_131 : i32
      %sign3A_133 = arith.constant 0 : i32
      %sign3A_134 = arith.cmpi sgt, %jit3A, %sign3A_133 : i32
      %sign3A_135 = arith.extui %sign3A_134 : i1 to i32
      %sign3A_136 = arith.constant 0 : i32
      %sign3A_137 = arith.cmpi slt, %jit3A, %sign3A_136 : i32
      %sign3A_138 = arith.extui %sign3A_137 : i1 to i32
      %sign3A_139 = arith.subi %sign3A_135, %sign3A_138 : i32
      %ne3A = arith.cmpi ne, %sign3A_132, %sign3A_139 : i32
      %rem3A = arith.remsi %scan3A_124, %jit3A : i32
      %ne3A_140 = arith.constant 0 : i32
      %ne3A_141 = arith.cmpi ne, %rem3A, %ne3A_140 : i32
      %and3A = arith.andi %ne3A, %ne3A_141 : i1
      %sub3A = arith.constant 1 : i32
      %sub3A_142 = arith.subi %div3A, %sub3A : i32
      %select_n3A = arith.select %and3A, %sub3A_142, %div3A : i32
      %jit3A_143 = arith.constant 2 : i32
      %eq3A = arith.constant 0 : i32
      %eq3A_144 = arith.cmpi eq, %jit3A_143, %eq3A : i32
      %jit3A_145 = arith.constant 1 : i32
      %select_n3A_146 = arith.select %eq3A_144, %jit3A_145, %jit3A_143 : i32
      %rem3A_147 = arith.remsi %scan3A_124, %select_n3A_146 : i32
      %ne3A_148 = arith.constant 0 : i32
      %ne3A_149 = arith.cmpi ne, %rem3A_147, %ne3A_148 : i32
      %lt3A = arith.constant 0 : i32
      %lt3A_150 = arith.cmpi slt, %rem3A_147, %lt3A : i32
      %lt3A_151 = arith.constant 0 : i32
      %lt3A_152 = arith.cmpi slt, %select_n3A_146, %lt3A_151 : i32
      %ne3A_153 = arith.xori %lt3A_150, %lt3A_152 : i1
      %and3A_154 = arith.andi %ne3A_153, %ne3A_149 : i1
      %add3A_155 = arith.addi %rem3A_147, %select_n3A_146 : i32
      %select_n3A_156 = arith.select %and3A_154, %add3A_155, %rem3A_147 : i32
      %mul3A_157 = arith.constant 16 : i32
      %mul3A_158 = arith.muli %select_n3A_156, %mul3A_157 : i32
      %swap3A = arith.index_cast %select_n3A : i32 to index
      %swap3A_159 = arith.index_cast %mul3A_158 : i32 to index
      %swap3A_160 = tpu.vector_load %arg9[%swap3A, %swap3A_159] {strides = array<i32>} : memref<64x32xf32, #tpu.memory_space<vmem>>, vector<1x16xf32>,
      %swap3A_161 = vector.shape_cast %swap3A_160 : vector<1x16xf32> to vector<16xf32>
      %swap3A_162 = vector.shape_cast %broadcast_in_dim3A_126 : vector<16xf32> to vector<1x16xf32>
      tpu.vector_store %arg9[%swap3A, %swap3A_159], %swap3A_162 {strides = array<i32>} : memref<64x32xf32, #tpu.memory_space<vmem>>, vector<1x16xf32>,
      %scan3A_163 = arith.constant 0 : i32
      scf.yield %scan3A_163 : i32
    }
    %scan3A_6 = arith.constant 128 : i32
    %scan3A_7 = arith.constant 0 : i32
    %scan3A_8 = arith.constant 0 : i32
    %scan3A_9 = arith.constant 10 : i32
    %scan3A_10 = arith.addi %scan3A_8, %scan3A_9 : i32
    %scan3A_11 = arith.constant 1 : i32
    %scan3A_12 = scf.for %scan3A_124 = %scan3A_8 to %scan3A_10 step %scan3A_11 iter_args(%scan3A_125 = %scan3A_7) -> (i32)  : i32 {
      %mul3A_126 = arith.constant 640 : i32
      %mul3A_127 = arith.muli %arg1, %mul3A_126 : i32
      %mul3A_128 = arith.constant 64 : i32
      %mul3A_129 = arith.muli %scan3A_124, %mul3A_128 : i32
      %add3A_130 = arith.addi %mul3A_127, %mul3A_129 : i32
      "tpu.region"() ({
        %run_scoped3A = tpu.sem_alloc : memref<!tpu.dma_semaphore, #tpu.memory_space<semaphore_mem>>
        %dma_start3A_132 = arith.constant 0 : i32
        %dma_start3A_133 = tpu.memref_slice %arg12[%add3A_130, %dma_start3A_132] : memref<10240x32xf32, #tpu.memory_space<vmem_shared>> -> memref<64x32xf32, #tpu.memory_space<vmem_shared>>
        %dma_start3A_134 = arith.constant 0 : i32
        %dma_start3A_135 = tpu.memref_slice %arg12[%add3A_130, %dma_start3A_134] : memref<10240x32xf32, #tpu.memory_space<vmem_shared>> -> memref<64x32xf32, #tpu.memory_space<vmem_shared>>
        tpu.enqueue_dma source(%arg9 : memref<64x32xf32, #tpu.memory_space<vmem>>) target(%dma_start3A_135 : memref<64x32xf32, #tpu.memory_space<vmem_shared>>) target_semaphore(%run_scoped3A : memref<!tpu.dma_semaphore, #tpu.memory_space<semaphore_mem>>)
        %dma_wait3A_136 = arith.constant 0 : i32
        %dma_wait3A_137 = tpu.memref_slice %arg12[%add3A_130, %dma_wait3A_136] : memref<10240x32xf32, #tpu.memory_space<vmem_shared>> -> memref<64x32xf32, #tpu.memory_space<vmem_shared>>
        %dma_wait3A_138 = arith.constant 0 : i32
        %dma_wait3A_139 = tpu.memref_slice %arg12[%add3A_130, %dma_wait3A_138] : memref<10240x32xf32, #tpu.memory_space<vmem_shared>> -> memref<64x32xf32, #tpu.memory_space<vmem_shared>>
        tpu.wait_dma2 semaphore(%run_scoped3A : memref<!tpu.dma_semaphore, #tpu.memory_space<semaphore_mem>>) src(%arg9 : memref<64x32xf32, #tpu.memory_space<vmem>>) dst(%dma_wait3A_139 : memref<64x32xf32, #tpu.memory_space<vmem_shared>>)
        tpu.yield
      }) : () -> ()
      %scan3A_131 = arith.constant 0 : i32
      scf.yield %scan3A_131 : i32
    }
    %scan3A_13 = arith.constant 10 : i32
    %mul3A_14 = arith.constant 640 : i32
    %mul3A_15 = arith.muli %arg1, %mul3A_14 : i32
    %mul3A_16 = arith.constant 640 : i32
    %mul3A_17 = arith.muli %arg1, %mul3A_16 : i32
    "tpu.region"() ({
      %run_scoped3A = tpu.sem_alloc : memref<!tpu.dma_semaphore, #tpu.memory_space<semaphore_mem>>
      %dma_start3A_124 = arith.constant 0 : i32
      %dma_start3A_125 = tpu.memref_slice %arg13[%mul3A_17, %dma_start3A_124] : memref<10240x32xf32, #tpu.memory_space<vmem_shared>> -> memref<640x32xf32, #tpu.memory_space<vmem_shared>>
      %dma_start3A_126 = arith.constant 0 : i32
      %dma_start3A_127 = tpu.memref_slice %arg2[%mul3A_15, %dma_start3A_126] : memref<10240x32xf32, #tpu.memory_space<hbm>> -> memref<640x32xf32, #tpu.memory_space<hbm>>
      tpu.enqueue_dma source(%dma_start3A_127 : memref<640x32xf32, #tpu.memory_space<hbm>>) target(%dma_start3A_125 : memref<640x32xf32, #tpu.memory_space<vmem_shared>>) target_semaphore(%run_scoped3A : memref<!tpu.dma_semaphore, #tpu.memory_space<semaphore_mem>>)
      %dma_wait3A_128 = arith.constant 0 : i32
      %dma_wait3A_129 = tpu.memref_slice %arg13[%mul3A_17, %dma_wait3A_128] : memref<10240x32xf32, #tpu.memory_space<vmem_shared>> -> memref<640x32xf32, #tpu.memory_space<vmem_shared>>
      %dma_wait3A_130 = arith.constant 0 : i32
      %dma_wait3A_131 = tpu.memref_slice %arg2[%mul3A_15, %dma_wait3A_130] : memref<10240x32xf32, #tpu.memory_space<hbm>> -> memref<640x32xf32, #tpu.memory_space<hbm>>
      tpu.wait_dma2 semaphore(%run_scoped3A : memref<!tpu.dma_semaphore, #tpu.memory_space<semaphore_mem>>) src(%dma_wait3A_131 : memref<640x32xf32, #tpu.memory_space<hbm>>) dst(%dma_wait3A_129 : memref<640x32xf32, #tpu.memory_space<vmem_shared>>)
      tpu.yield
    }) : () -> ()
    %barrier3A = arith.constant 0 : index
    tpu.barrier barrier_id(%barrier3A)
    "tpu.region"() ({
      %run_scoped3A = tpu.sem_alloc : memref<!tpu.dma_semaphore, #tpu.memory_space<semaphore_mem>>
      %dma_start3A_124 = arith.constant 0 : i32
      %dma_start3A_125 = arith.constant 0 : i32
      %dma_start3A_126 = tpu.memref_slice %arg3[%add3A, %dma_start3A_124, %dma_start3A_125] : memref<32x80x125xi32, #tpu.memory_space<hbm>> -> memref<1x80x125xi32, #tpu.memory_space<hbm>>
      %dma_start3A_127 = tpu.memref_squeeze %dma_start3A_126 : memref<1x80x125xi32, #tpu.memory_space<hbm>> -> memref<80x125xi32, #tpu.memory_space<hbm>>
      %dma_start3A_128 = arith.constant 0 : i32
      %dma_start3A_129 = arith.constant 0 : i32
      %dma_start3A_130 = tpu.memref_slice %arg3[%add3A, %dma_start3A_128, %dma_start3A_129] : memref<32x80x125xi32, #tpu.memory_space<hbm>> -> memref<1x80x125xi32, #tpu.memory_space<hbm>>
      %dma_start3A_131 = tpu.memref_squeeze %dma_start3A_130 : memref<1x80x125xi32, #tpu.memory_space<hbm>> -> memref<80x125xi32, #tpu.memory_space<hbm>>
      tpu.enqueue_dma source(%dma_start3A_131 : memref<80x125xi32, #tpu.memory_space<hbm>>) target(%arg6 : memref<80x125xi32, #tpu.memory_space<vmem>>) target_semaphore(%run_scoped3A : memref<!tpu.dma_semaphore, #tpu.memory_space<semaphore_mem>>)
      %dma_wait3A_132 = arith.constant 0 : i32
      %dma_wait3A_133 = arith.constant 0 : i32
      %dma_wait3A_134 = tpu.memref_slice %arg3[%add3A, %dma_wait3A_132, %dma_wait3A_133] : memref<32x80x125xi32, #tpu.memory_space<hbm>> -> memref<1x80x125xi32, #tpu.memory_space<hbm>>
      %dma_wait3A_135 = tpu.memref_squeeze %dma_wait3A_134 : memref<1x80x125xi32, #tpu.memory_space<hbm>> -> memref<80x125xi32, #tpu.memory_space<hbm>>
      %dma_wait3A_136 = arith.constant 0 : i32
      %dma_wait3A_137 = arith.constant 0 : i32
      %dma_wait3A_138 = tpu.memref_slice %arg3[%add3A, %dma_wait3A_136, %dma_wait3A_137] : memref<32x80x125xi32, #tpu.memory_space<hbm>> -> memref<1x80x125xi32, #tpu.memory_space<hbm>>
      %dma_wait3A_139 = tpu.memref_squeeze %dma_wait3A_138 : memref<1x80x125xi32, #tpu.memory_space<hbm>> -> memref<80x125xi32, #tpu.memory_space<hbm>>
      tpu.wait_dma2 semaphore(%run_scoped3A : memref<!tpu.dma_semaphore, #tpu.memory_space<semaphore_mem>>) src(%dma_wait3A_139 : memref<80x125xi32, #tpu.memory_space<hbm>>) dst(%arg6 : memref<80x125xi32, #tpu.memory_space<vmem>>)
      tpu.yield
    }) : () -> ()
    "tpu.region"() ({
      %run_scoped3A = tpu.sem_alloc : memref<!tpu.dma_semaphore, #tpu.memory_space<semaphore_mem>>
      %dma_start3A_124 = arith.constant 0 : i32
      %dma_start3A_125 = arith.constant 0 : i32
      %dma_start3A_126 = tpu.memref_slice %arg4[%add3A, %dma_start3A_124, %dma_start3A_125] : memref<32x80x125xi32, #tpu.memory_space<hbm>> -> memref<1x80x125xi32, #tpu.memory_space<hbm>>
      %dma_start3A_127 = tpu.memref_squeeze %dma_start3A_126 : memref<1x80x125xi32, #tpu.memory_space<hbm>> -> memref<80x125xi32, #tpu.memory_space<hbm>>
      %dma_start3A_128 = arith.constant 0 : i32
      %dma_start3A_129 = arith.constant 0 : i32
      %dma_start3A_130 = tpu.memref_slice %arg4[%add3A, %dma_start3A_128, %dma_start3A_129] : memref<32x80x125xi32, #tpu.memory_space<hbm>> -> memref<1x80x125xi32, #tpu.memory_space<hbm>>
      %dma_start3A_131 = tpu.memref_squeeze %dma_start3A_130 : memref<1x80x125xi32, #tpu.memory_space<hbm>> -> memref<80x125xi32, #tpu.memory_space<hbm>>
      tpu.enqueue_dma source(%dma_start3A_131 : memref<80x125xi32, #tpu.memory_space<hbm>>) target(%arg7 : memref<80x125xi32, #tpu.memory_space<vmem>>) target_semaphore(%run_scoped3A : memref<!tpu.dma_semaphore, #tpu.memory_space<semaphore_mem>>)
      %dma_wait3A_132 = arith.constant 0 : i32
      %dma_wait3A_133 = arith.constant 0 : i32
      %dma_wait3A_134 = tpu.memref_slice %arg4[%add3A, %dma_wait3A_132, %dma_wait3A_133] : memref<32x80x125xi32, #tpu.memory_space<hbm>> -> memref<1x80x125xi32, #tpu.memory_space<hbm>>
      %dma_wait3A_135 = tpu.memref_squeeze %dma_wait3A_134 : memref<1x80x125xi32, #tpu.memory_space<hbm>> -> memref<80x125xi32, #tpu.memory_space<hbm>>
      %dma_wait3A_136 = arith.constant 0 : i32
      %dma_wait3A_137 = arith.constant 0 : i32
      %dma_wait3A_138 = tpu.memref_slice %arg4[%add3A, %dma_wait3A_136, %dma_wait3A_137] : memref<32x80x125xi32, #tpu.memory_space<hbm>> -> memref<1x80x125xi32, #tpu.memory_space<hbm>>
      %dma_wait3A_139 = tpu.memref_squeeze %dma_wait3A_138 : memref<1x80x125xi32, #tpu.memory_space<hbm>> -> memref<80x125xi32, #tpu.memory_space<hbm>>
      tpu.wait_dma2 semaphore(%run_scoped3A : memref<!tpu.dma_semaphore, #tpu.memory_space<semaphore_mem>>) src(%dma_wait3A_139 : memref<80x125xi32, #tpu.memory_space<hbm>>) dst(%arg7 : memref<80x125xi32, #tpu.memory_space<vmem>>)
      tpu.yield
    }) : () -> ()
    %dma_start3A = arith.constant 0 : i32
    %dma_start3A_18 = arith.constant 0 : i32
    %dma_start3A_19 = arith.constant 0 : i32
    %dma_start3A_20 = arith.constant 0 : i32
    %dma_start3A_21 = tpu.memref_slice %arg8[%dma_start3A_18, %dma_start3A_19, %dma_start3A_20] : memref<8x125x32xf32, #tpu.memory_space<vmem>> -> memref<1x125x32xf32, #tpu.memory_space<vmem>>
    %dma_start3A_22 = tpu.memref_squeeze %dma_start3A_21 : memref<1x125x32xf32, #tpu.memory_space<vmem>> -> memref<125x32xf32, #tpu.memory_space<vmem>>
    %dma_start3A_23 = arith.constant 0 : i32
    %dma_start3A_24 = tpu.memref_slice %arg6[%dma_start3A, %dma_start3A_23] : memref<80x125xi32, #tpu.memory_space<vmem>> -> memref<1x125xi32, #tpu.memory_space<vmem>>
    %dma_start3A_25 = tpu.memref_squeeze %dma_start3A_24 : memref<1x125xi32, #tpu.memory_space<vmem>> -> memref<125xi32, #tpu.memory_space<vmem>>
    %dma_start3A_26 = arith.constant 0 : i32
    %dma_start3A_27 = arith.constant 0 : i32
    %dma_start3A_28 = tpu.memref_slice %arg13[%dma_start3A_26, %dma_start3A_27] : memref<10240x32xf32, #tpu.memory_space<vmem_shared>> -> memref<10240x32xf32, #tpu.memory_space<vmem_shared>>
    tpu.enqueue_indirect_dma source(%dma_start3A_28 : memref<10240x32xf32, #tpu.memory_space<vmem_shared>>) target(%dma_start3A_22 : memref<125x32xf32, #tpu.memory_space<vmem>>) offsets(%dma_start3A_25 : memref<125xi32, #tpu.memory_space<vmem>>) semaphore(%arg10 : memref<!tpu.dma_semaphore, #tpu.memory_space<semaphore_mem>>)
    %dma_start3A_29 = arith.constant 1 : i32
    %dma_start3A_30 = arith.constant 1 : i32
    %dma_start3A_31 = arith.constant 0 : i32
    %dma_start3A_32 = arith.constant 0 : i32
    %dma_start3A_33 = tpu.memref_slice %arg8[%dma_start3A_30, %dma_start3A_31, %dma_start3A_32] : memref<8x125x32xf32, #tpu.memory_space<vmem>> -> memref<1x125x32xf32, #tpu.memory_space<vmem>>
    %dma_start3A_34 = tpu.memref_squeeze %dma_start3A_33 : memref<1x125x32xf32, #tpu.memory_space<vmem>> -> memref<125x32xf32, #tpu.memory_space<vmem>>
    %dma_start3A_35 = arith.constant 0 : i32
    %dma_start3A_36 = tpu.memref_slice %arg6[%dma_start3A_29, %dma_start3A_35] : memref<80x125xi32, #tpu.memory_space<vmem>> -> memref<1x125xi32, #tpu.memory_space<vmem>>
    %dma_start3A_37 = tpu.memref_squeeze %dma_start3A_36 : memref<1x125xi32, #tpu.memory_space<vmem>> -> memref<125xi32, #tpu.memory_space<vmem>>
    %dma_start3A_38 = arith.constant 0 : i32
    %dma_start3A_39 = arith.constant 0 : i32
    %dma_start3A_40 = tpu.memref_slice %arg13[%dma_start3A_38, %dma_start3A_39] : memref<10240x32xf32, #tpu.memory_space<vmem_shared>> -> memref<10240x32xf32, #tpu.memory_space<vmem_shared>>
    tpu.enqueue_indirect_dma source(%dma_start3A_40 : memref<10240x32xf32, #tpu.memory_space<vmem_shared>>) target(%dma_start3A_34 : memref<125x32xf32, #tpu.memory_space<vmem>>) offsets(%dma_start3A_37 : memref<125xi32, #tpu.memory_space<vmem>>) semaphore(%arg10 : memref<!tpu.dma_semaphore, #tpu.memory_space<semaphore_mem>>)
    %dma_start3A_41 = arith.constant 2 : i32
    %dma_start3A_42 = arith.constant 2 : i32
    %dma_start3A_43 = arith.constant 0 : i32
    %dma_start3A_44 = arith.constant 0 : i32
    %dma_start3A_45 = tpu.memref_slice %arg8[%dma_start3A_42, %dma_start3A_43, %dma_start3A_44] : memref<8x125x32xf32, #tpu.memory_space<vmem>> -> memref<1x125x32xf32, #tpu.memory_space<vmem>>
    %dma_start3A_46 = tpu.memref_squeeze %dma_start3A_45 : memref<1x125x32xf32, #tpu.memory_space<vmem>> -> memref<125x32xf32, #tpu.memory_space<vmem>>
    %dma_start3A_47 = arith.constant 0 : i32
    %dma_start3A_48 = tpu.memref_slice %arg6[%dma_start3A_41, %dma_start3A_47] : memref<80x125xi32, #tpu.memory_space<vmem>> -> memref<1x125xi32, #tpu.memory_space<vmem>>
    %dma_start3A_49 = tpu.memref_squeeze %dma_start3A_48 : memref<1x125xi32, #tpu.memory_space<vmem>> -> memref<125xi32, #tpu.memory_space<vmem>>
    %dma_start3A_50 = arith.constant 0 : i32
    %dma_start3A_51 = arith.constant 0 : i32
    %dma_start3A_52 = tpu.memref_slice %arg13[%dma_start3A_50, %dma_start3A_51] : memref<10240x32xf32, #tpu.memory_space<vmem_shared>> -> memref<10240x32xf32, #tpu.memory_space<vmem_shared>>
    tpu.enqueue_indirect_dma source(%dma_start3A_52 : memref<10240x32xf32, #tpu.memory_space<vmem_shared>>) target(%dma_start3A_46 : memref<125x32xf32, #tpu.memory_space<vmem>>) offsets(%dma_start3A_49 : memref<125xi32, #tpu.memory_space<vmem>>) semaphore(%arg10 : memref<!tpu.dma_semaphore, #tpu.memory_space<semaphore_mem>>)
    %dma_start3A_53 = arith.constant 3 : i32
    %dma_start3A_54 = arith.constant 3 : i32
    %dma_start3A_55 = arith.constant 0 : i32
    %dma_start3A_56 = arith.constant 0 : i32
    %dma_start3A_57 = tpu.memref_slice %arg8[%dma_start3A_54, %dma_start3A_55, %dma_start3A_56] : memref<8x125x32xf32, #tpu.memory_space<vmem>> -> memref<1x125x32xf32, #tpu.memory_space<vmem>>
    %dma_start3A_58 = tpu.memref_squeeze %dma_start3A_57 : memref<1x125x32xf32, #tpu.memory_space<vmem>> -> memref<125x32xf32, #tpu.memory_space<vmem>>
    %dma_start3A_59 = arith.constant 0 : i32
    %dma_start3A_60 = tpu.memref_slice %arg6[%dma_start3A_53, %dma_start3A_59] : memref<80x125xi32, #tpu.memory_space<vmem>> -> memref<1x125xi32, #tpu.memory_space<vmem>>
    %dma_start3A_61 = tpu.memref_squeeze %dma_start3A_60 : memref<1x125xi32, #tpu.memory_space<vmem>> -> memref<125xi32, #tpu.memory_space<vmem>>
    %dma_start3A_62 = arith.constant 0 : i32
    %dma_start3A_63 = arith.constant 0 : i32
    %dma_start3A_64 = tpu.memref_slice %arg13[%dma_start3A_62, %dma_start3A_63] : memref<10240x32xf32, #tpu.memory_space<vmem_shared>> -> memref<10240x32xf32, #tpu.memory_space<vmem_shared>>
    tpu.enqueue_indirect_dma source(%dma_start3A_64 : memref<10240x32xf32, #tpu.memory_space<vmem_shared>>) target(%dma_start3A_58 : memref<125x32xf32, #tpu.memory_space<vmem>>) offsets(%dma_start3A_61 : memref<125xi32, #tpu.memory_space<vmem>>) semaphore(%arg10 : memref<!tpu.dma_semaphore, #tpu.memory_space<semaphore_mem>>)
    %scan3A_65 = arith.constant 0 : i32
    %scan3A_66 = arith.constant 0 : i32
    %scan3A_67 = arith.constant 80 : i32
    %scan3A_68 = arith.addi %scan3A_66, %scan3A_67 : i32
    %scan3A_69 = arith.constant 1 : i32
    %scan3A_70 = scf.for %scan3A_124 = %scan3A_66 to %scan3A_68 step %scan3A_69 iter_args(%scan3A_125 = %scan3A_65) -> (i32)  : i32 {
      %ge3A = arith.constant 4 : i32
      %ge3A_126 = arith.cmpi sge, %scan3A_124, %ge3A : i32
      %convert_element_type3A = arith.extui %ge3A_126 : i1 to i32
      %cond3A = arith.constant 0 : i32
      %cond3A_127 = arith.cmpi ne, %convert_element_type3A, %cond3A : i32
      scf.if %cond3A_127 {
        %dma_wait3A_157 = arith.constant 0 : i32
        %dma_wait3A_158 = arith.constant 0 : i32
        %dma_wait3A_159 = arith.constant 0 : i32
        %dma_wait3A_160 = arith.constant 0 : i32
        %dma_wait3A_161 = tpu.memref_slice %arg8[%dma_wait3A_157, %dma_wait3A_159, %dma_wait3A_160] : memref<8x125x32xf32, #tpu.memory_space<vmem>> -> memref<1x125x32xf32, #tpu.memory_space<vmem>>
        %dma_wait3A_162 = tpu.memref_squeeze %dma_wait3A_161 : memref<1x125x32xf32, #tpu.memory_space<vmem>> -> memref<125x32xf32, #tpu.memory_space<vmem>>
        %dma_wait3A_163 = arith.constant 0 : i32
        %dma_wait3A_164 = tpu.memref_slice %arg7[%dma_wait3A_158, %dma_wait3A_163] : memref<80x125xi32, #tpu.memory_space<vmem>> -> memref<1x125xi32, #tpu.memory_space<vmem>>
        %dma_wait3A_165 = tpu.memref_squeeze %dma_wait3A_164 : memref<1x125xi32, #tpu.memory_space<vmem>> -> memref<125xi32, #tpu.memory_space<vmem>>
        %dma_wait3A_166 = arith.constant 0 : i32
        %dma_wait3A_167 = arith.constant 0 : i32
        %dma_wait3A_168 = tpu.memref_slice %arg12[%dma_wait3A_166, %dma_wait3A_167] : memref<10240x32xf32, #tpu.memory_space<vmem_shared>> -> memref<10240x32xf32, #tpu.memory_space<vmem_shared>>
        tpu.wait_indirect_dma semaphore(%arg11 : memref<!tpu.dma_semaphore, #tpu.memory_space<semaphore_mem>>) src(%dma_wait3A_162 : memref<125x32xf32, #tpu.memory_space<vmem>>) dst(%dma_wait3A_168 : memref<10240x32xf32, #tpu.memory_space<vmem_shared>>)
      } else {
      }
      %add3A_128 = arith.constant 8 : i32
      %add3A_129 = arith.addi %scan3A_124, %add3A_128 : i32
      %sub3A = arith.constant 4 : i32
      %sub3A_130 = arith.subi %add3A_129, %sub3A : i32
      %lt3A = arith.constant 80 : i32
      %lt3A_131 = arith.cmpi slt, %sub3A_130, %lt3A : i32
      %convert_element_type3A_132 = arith.extui %lt3A_131 : i1 to i32
      %cond3A_133 = arith.constant 0 : i32
      %cond3A_134 = arith.cmpi ne, %convert_element_type3A_132, %cond3A_133 : i32
      scf.if %cond3A_134 {
        %rem3A_157 = arith.constant 8 : i32
        %rem3A_158 = arith.remsi %sub3A_130, %rem3A_157 : i32
        %dma_start3A_159 = arith.constant 0 : i32
        %dma_start3A_160 = arith.constant 0 : i32
        %dma_start3A_161 = tpu.memref_slice %arg8[%rem3A_158, %dma_start3A_159, %dma_start3A_160] : memref<8x125x32xf32, #tpu.memory_space<vmem>> -> memref<1x125x32xf32, #tpu.memory_space<vmem>>
        %dma_start3A_162 = tpu.memref_squeeze %dma_start3A_161 : memref<1x125x32xf32, #tpu.memory_space<vmem>> -> memref<125x32xf32, #tpu.memory_space<vmem>>
        %dma_start3A_163 = arith.constant 0 : i32
        %dma_start3A_164 = tpu.memref_slice %arg6[%sub3A_130, %dma_start3A_163] : memref<80x125xi32, #tpu.memory_space<vmem>> -> memref<1x125xi32, #tpu.memory_space<vmem>>
        %dma_start3A_165 = tpu.memref_squeeze %dma_start3A_164 : memref<1x125xi32, #tpu.memory_space<vmem>> -> memref<125xi32, #tpu.memory_space<vmem>>
        %dma_start3A_166 = arith.constant 0 : i32
        %dma_start3A_167 = arith.constant 0 : i32
        %dma_start3A_168 = tpu.memref_slice %arg13[%dma_start3A_166, %dma_start3A_167] : memref<10240x32xf32, #tpu.memory_space<vmem_shared>> -> memref<10240x32xf32, #tpu.memory_space<vmem_shared>>
        tpu.enqueue_indirect_dma source(%dma_start3A_168 : memref<10240x32xf32, #tpu.memory_space<vmem_shared>>) target(%dma_start3A_162 : memref<125x32xf32, #tpu.memory_space<vmem>>) offsets(%dma_start3A_165 : memref<125xi32, #tpu.memory_space<vmem>>) semaphore(%arg10 : memref<!tpu.dma_semaphore, #tpu.memory_space<semaphore_mem>>)
      } else {
      }
      %rem3A = arith.constant 8 : i32
      %rem3A_135 = arith.remsi %scan3A_124, %rem3A : i32
      %dma_wait3A_136 = arith.constant 0 : i32
      %dma_wait3A_137 = arith.constant 0 : i32
      %dma_wait3A_138 = tpu.memref_slice %arg8[%rem3A_135, %dma_wait3A_136, %dma_wait3A_137] : memref<8x125x32xf32, #tpu.memory_space<vmem>> -> memref<1x125x32xf32, #tpu.memory_space<vmem>>
      %dma_wait3A_139 = tpu.memref_squeeze %dma_wait3A_138 : memref<1x125x32xf32, #tpu.memory_space<vmem>> -> memref<125x32xf32, #tpu.memory_space<vmem>>
      %dma_wait3A_140 = arith.constant 0 : i32
      %dma_wait3A_141 = tpu.memref_slice %arg6[%scan3A_124, %dma_wait3A_140] : memref<80x125xi32, #tpu.memory_space<vmem>> -> memref<1x125xi32, #tpu.memory_space<vmem>>
      %dma_wait3A_142 = tpu.memref_squeeze %dma_wait3A_141 : memref<1x125xi32, #tpu.memory_space<vmem>> -> memref<125xi32, #tpu.memory_space<vmem>>
      %dma_wait3A_143 = arith.constant 0 : i32
      %dma_wait3A_144 = arith.constant 0 : i32
      %dma_wait3A_145 = tpu.memref_slice %arg13[%dma_wait3A_143, %dma_wait3A_144] : memref<10240x32xf32, #tpu.memory_space<vmem_shared>> -> memref<10240x32xf32, #tpu.memory_space<vmem_shared>>
      tpu.wait_indirect_dma semaphore(%arg10 : memref<!tpu.dma_semaphore, #tpu.memory_space<semaphore_mem>>) src(%dma_wait3A_145 : memref<10240x32xf32, #tpu.memory_space<vmem_shared>>) dst(%dma_wait3A_139 : memref<125x32xf32, #tpu.memory_space<vmem>>)
      %dma_start3A_146 = arith.constant 0 : i32
      %dma_start3A_147 = arith.constant 0 : i32
      %dma_start3A_148 = tpu.memref_slice %arg8[%rem3A_135, %dma_start3A_146, %dma_start3A_147] : memref<8x125x32xf32, #tpu.memory_space<vmem>> -> memref<1x125x32xf32, #tpu.memory_space<vmem>>
      %dma_start3A_149 = tpu.memref_squeeze %dma_start3A_148 : memref<1x125x32xf32, #tpu.memory_space<vmem>> -> memref<125x32xf32, #tpu.memory_space<vmem>>
      %dma_start3A_150 = arith.constant 0 : i32
      %dma_start3A_151 = tpu.memref_slice %arg7[%scan3A_124, %dma_start3A_150] : memref<80x125xi32, #tpu.memory_space<vmem>> -> memref<1x125xi32, #tpu.memory_space<vmem>>
      %dma_start3A_152 = tpu.memref_squeeze %dma_start3A_151 : memref<1x125xi32, #tpu.memory_space<vmem>> -> memref<125xi32, #tpu.memory_space<vmem>>
      %dma_start3A_153 = arith.constant 0 : i32
      %dma_start3A_154 = arith.constant 0 : i32
      %dma_start3A_155 = tpu.memref_slice %arg12[%dma_start3A_153, %dma_start3A_154] : memref<10240x32xf32, #tpu.memory_space<vmem_shared>> -> memref<10240x32xf32, #tpu.memory_space<vmem_shared>>
      tpu.enqueue_indirect_dma source(%dma_start3A_149 : memref<125x32xf32, #tpu.memory_space<vmem>>) target(%dma_start3A_155 : memref<10240x32xf32, #tpu.memory_space<vmem_shared>>) offsets(%dma_start3A_152 : memref<125xi32, #tpu.memory_space<vmem>>) semaphore(%arg11 : memref<!tpu.dma_semaphore, #tpu.memory_space<semaphore_mem>>) {add = true}
      %scan3A_156 = arith.constant 0 : i32
      scf.yield %scan3A_156 : i32
    }
    %scan3A_71 = arith.constant 80 : i32
    %dma_wait3A = arith.constant 0 : i32
    %dma_wait3A_72 = arith.constant 0 : i32
    %dma_wait3A_73 = arith.constant 0 : i32
    %dma_wait3A_74 = arith.constant 0 : i32
    %dma_wait3A_75 = tpu.memref_slice %arg8[%dma_wait3A, %dma_wait3A_73, %dma_wait3A_74] : memref<8x125x32xf32, #tpu.memory_space<vmem>> -> memref<1x125x32xf32, #tpu.memory_space<vmem>>
    %dma_wait3A_76 = tpu.memref_squeeze %dma_wait3A_75 : memref<1x125x32xf32, #tpu.memory_space<vmem>> -> memref<125x32xf32, #tpu.memory_space<vmem>>
    %dma_wait3A_77 = arith.constant 0 : i32
    %dma_wait3A_78 = tpu.memref_slice %arg7[%dma_wait3A_72, %dma_wait3A_77] : memref<80x125xi32, #tpu.memory_space<vmem>> -> memref<1x125xi32, #tpu.memory_space<vmem>>
    %dma_wait3A_79 = tpu.memref_squeeze %dma_wait3A_78 : memref<1x125xi32, #tpu.memory_space<vmem>> -> memref<125xi32, #tpu.memory_space<vmem>>
    %dma_wait3A_80 = arith.constant 0 : i32
    %dma_wait3A_81 = arith.constant 0 : i32
    %dma_wait3A_82 = tpu.memref_slice %arg12[%dma_wait3A_80, %dma_wait3A_81] : memref<10240x32xf32, #tpu.memory_space<vmem_shared>> -> memref<10240x32xf32, #tpu.memory_space<vmem_shared>>
    tpu.wait_indirect_dma semaphore(%arg11 : memref<!tpu.dma_semaphore, #tpu.memory_space<semaphore_mem>>) src(%dma_wait3A_76 : memref<125x32xf32, #tpu.memory_space<vmem>>) dst(%dma_wait3A_82 : memref<10240x32xf32, #tpu.memory_space<vmem_shared>>)
    %dma_wait3A_83 = arith.constant 0 : i32
    %dma_wait3A_84 = arith.constant 0 : i32
    %dma_wait3A_85 = arith.constant 0 : i32
    %dma_wait3A_86 = arith.constant 0 : i32
    %dma_wait3A_87 = tpu.memref_slice %arg8[%dma_wait3A_83, %dma_wait3A_85, %dma_wait3A_86] : memref<8x125x32xf32, #tpu.memory_space<vmem>> -> memref<1x125x32xf32, #tpu.memory_space<vmem>>
    %dma_wait3A_88 = tpu.memref_squeeze %dma_wait3A_87 : memref<1x125x32xf32, #tpu.memory_space<vmem>> -> memref<125x32xf32, #tpu.memory_space<vmem>>
    %dma_wait3A_89 = arith.constant 0 : i32
    %dma_wait3A_90 = tpu.memref_slice %arg7[%dma_wait3A_84, %dma_wait3A_89] : memref<80x125xi32, #tpu.memory_space<vmem>> -> memref<1x125xi32, #tpu.memory_space<vmem>>
    %dma_wait3A_91 = tpu.memref_squeeze %dma_wait3A_90 : memref<1x125xi32, #tpu.memory_space<vmem>> -> memref<125xi32, #tpu.memory_space<vmem>>
    %dma_wait3A_92 = arith.constant 0 : i32
    %dma_wait3A_93 = arith.constant 0 : i32
    %dma_wait3A_94 = tpu.memref_slice %arg12[%dma_wait3A_92, %dma_wait3A_93] : memref<10240x32xf32, #tpu.memory_space<vmem_shared>> -> memref<10240x32xf32, #tpu.memory_space<vmem_shared>>
    tpu.wait_indirect_dma semaphore(%arg11 : memref<!tpu.dma_semaphore, #tpu.memory_space<semaphore_mem>>) src(%dma_wait3A_88 : memref<125x32xf32, #tpu.memory_space<vmem>>) dst(%dma_wait3A_94 : memref<10240x32xf32, #tpu.memory_space<vmem_shared>>)
    %dma_wait3A_95 = arith.constant 0 : i32
    %dma_wait3A_96 = arith.constant 0 : i32
    %dma_wait3A_97 = arith.constant 0 : i32
    %dma_wait3A_98 = arith.constant 0 : i32
    %dma_wait3A_99 = tpu.memref_slice %arg8[%dma_wait3A_95, %dma_wait3A_97, %dma_wait3A_98] : memref<8x125x32xf32, #tpu.memory_space<vmem>> -> memref<1x125x32xf32, #tpu.memory_space<vmem>>
    %dma_wait3A_100 = tpu.memref_squeeze %dma_wait3A_99 : memref<1x125x32xf32, #tpu.memory_space<vmem>> -> memref<125x32xf32, #tpu.memory_space<vmem>>
    %dma_wait3A_101 = arith.constant 0 : i32
    %dma_wait3A_102 = tpu.memref_slice %arg7[%dma_wait3A_96, %dma_wait3A_101] : memref<80x125xi32, #tpu.memory_space<vmem>> -> memref<1x125xi32, #tpu.memory_space<vmem>>
    %dma_wait3A_103 = tpu.memref_squeeze %dma_wait3A_102 : memref<1x125xi32, #tpu.memory_space<vmem>> -> memref<125xi32, #tpu.memory_space<vmem>>
    %dma_wait3A_104 = arith.constant 0 : i32
    %dma_wait3A_105 = arith.constant 0 : i32
    %dma_wait3A_106 = tpu.memref_slice %arg12[%dma_wait3A_104, %dma_wait3A_105] : memref<10240x32xf32, #tpu.memory_space<vmem_shared>> -> memref<10240x32xf32, #tpu.memory_space<vmem_shared>>
    tpu.wait_indirect_dma semaphore(%arg11 : memref<!tpu.dma_semaphore, #tpu.memory_space<semaphore_mem>>) src(%dma_wait3A_100 : memref<125x32xf32, #tpu.memory_space<vmem>>) dst(%dma_wait3A_106 : memref<10240x32xf32, #tpu.memory_space<vmem_shared>>)
    %dma_wait3A_107 = arith.constant 0 : i32
    %dma_wait3A_108 = arith.constant 0 : i32
    %dma_wait3A_109 = arith.constant 0 : i32
    %dma_wait3A_110 = arith.constant 0 : i32
    %dma_wait3A_111 = tpu.memref_slice %arg8[%dma_wait3A_107, %dma_wait3A_109, %dma_wait3A_110] : memref<8x125x32xf32, #tpu.memory_space<vmem>> -> memref<1x125x32xf32, #tpu.memory_space<vmem>>
    %dma_wait3A_112 = tpu.memref_squeeze %dma_wait3A_111 : memref<1x125x32xf32, #tpu.memory_space<vmem>> -> memref<125x32xf32, #tpu.memory_space<vmem>>
    %dma_wait3A_113 = arith.constant 0 : i32
    %dma_wait3A_114 = tpu.memref_slice %arg7[%dma_wait3A_108, %dma_wait3A_113] : memref<80x125xi32, #tpu.memory_space<vmem>> -> memref<1x125xi32, #tpu.memory_space<vmem>>
    %dma_wait3A_115 = tpu.memref_squeeze %dma_wait3A_114 : memref<1x125xi32, #tpu.memory_space<vmem>> -> memref<125xi32, #tpu.memory_space<vmem>>
    %dma_wait3A_116 = arith.constant 0 : i32
    %dma_wait3A_117 = arith.constant 0 : i32
    %dma_wait3A_118 = tpu.memref_slice %arg12[%dma_wait3A_116, %dma_wait3A_117] : memref<10240x32xf32, #tpu.memory_space<vmem_shared>> -> memref<10240x32xf32, #tpu.memory_space<vmem_shared>>
    tpu.wait_indirect_dma semaphore(%arg11 : memref<!tpu.dma_semaphore, #tpu.memory_space<semaphore_mem>>) src(%dma_wait3A_112 : memref<125x32xf32, #tpu.memory_space<vmem>>) dst(%dma_wait3A_118 : memref<10240x32xf32, #tpu.memory_space<vmem_shared>>)
    %barrier3A_119 = arith.constant 0 : index
    tpu.barrier barrier_id(%barrier3A_119)
    %mul3A_120 = arith.constant 640 : i32
    %mul3A_121 = arith.muli %arg1, %mul3A_120 : i32
    %mul3A_122 = arith.constant 640 : i32
    %mul3A_123 = arith.muli %arg1, %mul3A_122 : i32
    "tpu.region"() ({
      %run_scoped3A = tpu.sem_alloc : memref<!tpu.dma_semaphore, #tpu.memory_space<semaphore_mem>>
      %dma_start3A_124 = arith.constant 0 : i32
      %dma_start3A_125 = tpu.memref_slice %arg5[%arg0, %mul3A_123, %dma_start3A_124] : memref<2x10240x32xf32, #tpu.memory_space<hbm>> -> memref<1x640x32xf32, #tpu.memory_space<hbm>>
      %dma_start3A_126 = tpu.memref_squeeze %dma_start3A_125 : memref<1x640x32xf32, #tpu.memory_space<hbm>> -> memref<640x32xf32, #tpu.memory_space<hbm>>
      %dma_start3A_127 = arith.constant 0 : i32
      %dma_start3A_128 = tpu.memref_slice %arg12[%mul3A_121, %dma_start3A_127] : memref<10240x32xf32, #tpu.memory_space<vmem_shared>> -> memref<640x32xf32, #tpu.memory_space<vmem_shared>>
      tpu.enqueue_dma source(%dma_start3A_128 : memref<640x32xf32, #tpu.memory_space<vmem_shared>>) target(%dma_start3A_126 : memref<640x32xf32, #tpu.memory_space<hbm>>) target_semaphore(%run_scoped3A : memref<!tpu.dma_semaphore, #tpu.memory_space<semaphore_mem>>)
      %dma_wait3A_129 = arith.constant 0 : i32
      %dma_wait3A_130 = tpu.memref_slice %arg5[%arg0, %mul3A_123, %dma_wait3A_129] : memref<2x10240x32xf32, #tpu.memory_space<hbm>> -> memref<1x640x32xf32, #tpu.memory_space<hbm>>
      %dma_wait3A_131 = tpu.memref_squeeze %dma_wait3A_130 : memref<1x640x32xf32, #tpu.memory_space<hbm>> -> memref<640x32xf32, #tpu.memory_space<hbm>>
      %dma_wait3A_132 = arith.constant 0 : i32
      %dma_wait3A_133 = tpu.memref_slice %arg12[%mul3A_121, %dma_wait3A_132] : memref<10240x32xf32, #tpu.memory_space<vmem_shared>> -> memref<640x32xf32, #tpu.memory_space<vmem_shared>>
      tpu.wait_dma2 semaphore(%run_scoped3A : memref<!tpu.dma_semaphore, #tpu.memory_space<semaphore_mem>>) src(%dma_wait3A_133 : memref<640x32xf32, #tpu.memory_space<vmem_shared>>) dst(%dma_wait3A_131 : memref<640x32xf32, #tpu.memory_space<hbm>>)
      tpu.yield
    }) : () -> ()
    return
  }
}

#map = affine_map<(d0, d1) -> (0, 0, 0)>
#map1 = affine_map<(d0, d1) -> (0, 0)>
module attributes {stable_mosaic.version = 14 : i64} {
  func.func @k(%arg0: i32, %arg1: i32, %arg2: memref<32x80x125xi32, #tpu.memory_space<hbm>>, %arg3: memref<2x10240xf32, #tpu.memory_space<hbm>>, %arg4: memref<80x125xi32, #tpu.memory_space<vmem>>, %arg5: memref<128xf32, #tpu.memory_space<vmem>>, %arg6: memref<640xf32, #tpu.memory_space<vmem>>, %arg7: memref<10240xf32, #tpu.memory_space<vmem_shared>>) attributes {dimension_semantics = [#tpu.dimension_semantics<core_parallel>, #tpu.dimension_semantics<subcore_parallel>], iteration_bounds = array<i64: 2, 16>, scalar_prefetch = 0 : i64, scratch_operands = 4 : i64, tpu.core_type = #tpu.core_type<sc_vector_subcore>, window_params = [{transform_indices = #map}, {transform_indices = #map1}]} {
    %mul3A = arith.constant 16 : i32
    %mul3A_0 = arith.muli %arg0, %mul3A : i32
    %add3A = arith.addi %mul3A_0, %arg1 : i32
    %scan3A = arith.constant 0 : i32
    %scan3A_1 = arith.constant 0 : i32
    %scan3A_2 = arith.constant 8 : i32
    %scan3A_3 = arith.addi %scan3A_1, %scan3A_2 : i32
    %scan3A_4 = arith.constant 1 : i32
    %scan3A_5 = scf.for %scan3A_28 = %scan3A_1 to %scan3A_3 step %scan3A_4 iter_args(%scan3A_29 = %scan3A) -> (i32)  : i32 {
      %broadcast_in_dim3A = arith.constant 1.000000e+00 : f32
      %broadcast_in_dim3A_30 = vector.broadcast %broadcast_in_dim3A : f32 to vector<16xf32>
      %mul3A_31 = arith.constant 16 : i32
      %mul3A_32 = arith.muli %scan3A_28, %mul3A_31 : i32
      %swap3A = arith.index_cast %mul3A_32 : i32 to index
      %swap3A_33 = tpu.vector_load %arg5[%swap3A] {strides = array<i32>} : memref<128xf32, #tpu.memory_space<vmem>>, vector<16xf32>,
      %swap3A_34 = vector.shape_cast %swap3A_33 : vector<16xf32> to vector<16xf32>
      %swap3A_35 = vector.shape_cast %broadcast_in_dim3A_30 : vector<16xf32> to vector<16xf32>
      tpu.vector_store %arg5[%swap3A], %swap3A_35 {strides = array<i32>} : memref<128xf32, #tpu.memory_space<vmem>>, vector<16xf32>,
      %scan3A_36 = arith.constant 0 : i32
      scf.yield %scan3A_36 : i32
    }
    %scan3A_6 = arith.constant 8 : i32
    %scan3A_7 = arith.constant 0 : i32
    %scan3A_8 = arith.constant 0 : i32
    %scan3A_9 = arith.constant 40 : i32
    %scan3A_10 = arith.addi %scan3A_8, %scan3A_9 : i32
    %scan3A_11 = arith.constant 1 : i32
    %scan3A_12 = scf.for %scan3A_28 = %scan3A_8 to %scan3A_10 step %scan3A_11 iter_args(%scan3A_29 = %scan3A_7) -> (i32)  : i32 {
      %broadcast_in_dim3A = arith.constant 0.000000e+00 : f32
      %broadcast_in_dim3A_30 = vector.broadcast %broadcast_in_dim3A : f32 to vector<16xf32>
      %mul3A_31 = arith.constant 16 : i32
      %mul3A_32 = arith.muli %scan3A_28, %mul3A_31 : i32
      %swap3A = arith.index_cast %mul3A_32 : i32 to index
      %swap3A_33 = tpu.vector_load %arg6[%swap3A] {strides = array<i32>} : memref<640xf32, #tpu.memory_space<vmem>>, vector<16xf32>,
      %swap3A_34 = vector.shape_cast %swap3A_33 : vector<16xf32> to vector<16xf32>
      %swap3A_35 = vector.shape_cast %broadcast_in_dim3A_30 : vector<16xf32> to vector<16xf32>
      tpu.vector_store %arg6[%swap3A], %swap3A_35 {strides = array<i32>} : memref<640xf32, #tpu.memory_space<vmem>>, vector<16xf32>,
      %scan3A_36 = arith.constant 0 : i32
      scf.yield %scan3A_36 : i32
    }
    %scan3A_13 = arith.constant 40 : i32
    %mul3A_14 = arith.constant 640 : i32
    %mul3A_15 = arith.muli %arg1, %mul3A_14 : i32
    "tpu.region"() ({
      %run_scoped3A = tpu.sem_alloc : memref<!tpu.dma_semaphore, #tpu.memory_space<semaphore_mem>>
      %dma_start3A = tpu.memref_slice %arg7[%mul3A_15] : memref<10240xf32, #tpu.memory_space<vmem_shared>> -> memref<640xf32, #tpu.memory_space<vmem_shared>>
      %dma_start3A_28 = tpu.memref_slice %arg7[%mul3A_15] : memref<10240xf32, #tpu.memory_space<vmem_shared>> -> memref<640xf32, #tpu.memory_space<vmem_shared>>
      tpu.enqueue_dma source(%arg6 : memref<640xf32, #tpu.memory_space<vmem>>) target(%dma_start3A_28 : memref<640xf32, #tpu.memory_space<vmem_shared>>) target_semaphore(%run_scoped3A : memref<!tpu.dma_semaphore, #tpu.memory_space<semaphore_mem>>)
      %dma_wait3A = tpu.memref_slice %arg7[%mul3A_15] : memref<10240xf32, #tpu.memory_space<vmem_shared>> -> memref<640xf32, #tpu.memory_space<vmem_shared>>
      %dma_wait3A_29 = tpu.memref_slice %arg7[%mul3A_15] : memref<10240xf32, #tpu.memory_space<vmem_shared>> -> memref<640xf32, #tpu.memory_space<vmem_shared>>
      tpu.wait_dma2 semaphore(%run_scoped3A : memref<!tpu.dma_semaphore, #tpu.memory_space<semaphore_mem>>) src(%arg6 : memref<640xf32, #tpu.memory_space<vmem>>) dst(%dma_wait3A_29 : memref<640xf32, #tpu.memory_space<vmem_shared>>)
      tpu.yield
    }) : () -> ()
    %barrier3A = arith.constant 0 : index
    tpu.barrier barrier_id(%barrier3A)
    "tpu.region"() ({
      %run_scoped3A = tpu.sem_alloc : memref<!tpu.dma_semaphore, #tpu.memory_space<semaphore_mem>>
      %dma_start3A = arith.constant 0 : i32
      %dma_start3A_28 = arith.constant 0 : i32
      %dma_start3A_29 = tpu.memref_slice %arg2[%add3A, %dma_start3A, %dma_start3A_28] : memref<32x80x125xi32, #tpu.memory_space<hbm>> -> memref<1x80x125xi32, #tpu.memory_space<hbm>>
      %dma_start3A_30 = tpu.memref_squeeze %dma_start3A_29 : memref<1x80x125xi32, #tpu.memory_space<hbm>> -> memref<80x125xi32, #tpu.memory_space<hbm>>
      %dma_start3A_31 = arith.constant 0 : i32
      %dma_start3A_32 = arith.constant 0 : i32
      %dma_start3A_33 = tpu.memref_slice %arg2[%add3A, %dma_start3A_31, %dma_start3A_32] : memref<32x80x125xi32, #tpu.memory_space<hbm>> -> memref<1x80x125xi32, #tpu.memory_space<hbm>>
      %dma_start3A_34 = tpu.memref_squeeze %dma_start3A_33 : memref<1x80x125xi32, #tpu.memory_space<hbm>> -> memref<80x125xi32, #tpu.memory_space<hbm>>
      tpu.enqueue_dma source(%dma_start3A_34 : memref<80x125xi32, #tpu.memory_space<hbm>>) target(%arg4 : memref<80x125xi32, #tpu.memory_space<vmem>>) target_semaphore(%run_scoped3A : memref<!tpu.dma_semaphore, #tpu.memory_space<semaphore_mem>>)
      %dma_wait3A = arith.constant 0 : i32
      %dma_wait3A_35 = arith.constant 0 : i32
      %dma_wait3A_36 = tpu.memref_slice %arg2[%add3A, %dma_wait3A, %dma_wait3A_35] : memref<32x80x125xi32, #tpu.memory_space<hbm>> -> memref<1x80x125xi32, #tpu.memory_space<hbm>>
      %dma_wait3A_37 = tpu.memref_squeeze %dma_wait3A_36 : memref<1x80x125xi32, #tpu.memory_space<hbm>> -> memref<80x125xi32, #tpu.memory_space<hbm>>
      %dma_wait3A_38 = arith.constant 0 : i32
      %dma_wait3A_39 = arith.constant 0 : i32
      %dma_wait3A_40 = tpu.memref_slice %arg2[%add3A, %dma_wait3A_38, %dma_wait3A_39] : memref<32x80x125xi32, #tpu.memory_space<hbm>> -> memref<1x80x125xi32, #tpu.memory_space<hbm>>
      %dma_wait3A_41 = tpu.memref_squeeze %dma_wait3A_40 : memref<1x80x125xi32, #tpu.memory_space<hbm>> -> memref<80x125xi32, #tpu.memory_space<hbm>>
      tpu.wait_dma2 semaphore(%run_scoped3A : memref<!tpu.dma_semaphore, #tpu.memory_space<semaphore_mem>>) src(%dma_wait3A_41 : memref<80x125xi32, #tpu.memory_space<hbm>>) dst(%arg4 : memref<80x125xi32, #tpu.memory_space<vmem>>)
      tpu.yield
    }) : () -> ()
    %scan3A_16 = arith.constant 0 : i32
    %scan3A_17 = arith.constant 0 : i32
    %scan3A_18 = arith.constant 80 : i32
    %scan3A_19 = arith.addi %scan3A_17, %scan3A_18 : i32
    %scan3A_20 = arith.constant 1 : i32
    %scan3A_21 = scf.for %scan3A_28 = %scan3A_17 to %scan3A_19 step %scan3A_20 iter_args(%scan3A_29 = %scan3A_16) -> (i32)  : i32 {
      "tpu.region"() ({
        %run_scoped3A = tpu.sem_alloc : memref<!tpu.dma_semaphore, #tpu.memory_space<semaphore_mem>>
        %dma_start3A = arith.constant 0 : i32
        %dma_start3A_31 = tpu.memref_slice %arg5[%dma_start3A] : memref<128xf32, #tpu.memory_space<vmem>> -> memref<125xf32, #tpu.memory_space<vmem>>
        %dma_start3A_32 = arith.constant 0 : i32
        %dma_start3A_33 = tpu.memref_slice %arg4[%scan3A_28, %dma_start3A_32] : memref<80x125xi32, #tpu.memory_space<vmem>> -> memref<1x125xi32, #tpu.memory_space<vmem>>
        %dma_start3A_34 = tpu.memref_squeeze %dma_start3A_33 : memref<1x125xi32, #tpu.memory_space<vmem>> -> memref<125xi32, #tpu.memory_space<vmem>>
        %dma_start3A_35 = arith.constant 0 : i32
        %dma_start3A_36 = tpu.memref_slice %arg7[%dma_start3A_35] : memref<10240xf32, #tpu.memory_space<vmem_shared>> -> memref<10240xf32, #tpu.memory_space<vmem_shared>>
        tpu.enqueue_indirect_dma source(%dma_start3A_31 : memref<125xf32, #tpu.memory_space<vmem>>) target(%dma_start3A_36 : memref<10240xf32, #tpu.memory_space<vmem_shared>>) offsets(%dma_start3A_34 : memref<125xi32, #tpu.memory_space<vmem>>) semaphore(%run_scoped3A : memref<!tpu.dma_semaphore, #tpu.memory_space<semaphore_mem>>) {add = true}
        %dma_wait3A = arith.constant 0 : i32
        %dma_wait3A_37 = tpu.memref_slice %arg5[%dma_wait3A] : memref<128xf32, #tpu.memory_space<vmem>> -> memref<125xf32, #tpu.memory_space<vmem>>
        %dma_wait3A_38 = arith.constant 0 : i32
        %dma_wait3A_39 = tpu.memref_slice %arg4[%scan3A_28, %dma_wait3A_38] : memref<80x125xi32, #tpu.memory_space<vmem>> -> memref<1x125xi32, #tpu.memory_space<vmem>>
        %dma_wait3A_40 = tpu.memref_squeeze %dma_wait3A_39 : memref<1x125xi32, #tpu.memory_space<vmem>> -> memref<125xi32, #tpu.memory_space<vmem>>
        %dma_wait3A_41 = arith.constant 0 : i32
        %dma_wait3A_42 = tpu.memref_slice %arg7[%dma_wait3A_41] : memref<10240xf32, #tpu.memory_space<vmem_shared>> -> memref<10240xf32, #tpu.memory_space<vmem_shared>>
        tpu.wait_indirect_dma semaphore(%run_scoped3A : memref<!tpu.dma_semaphore, #tpu.memory_space<semaphore_mem>>) src(%dma_wait3A_37 : memref<125xf32, #tpu.memory_space<vmem>>) dst(%dma_wait3A_42 : memref<10240xf32, #tpu.memory_space<vmem_shared>>)
        tpu.yield
      }) : () -> ()
      %scan3A_30 = arith.constant 0 : i32
      scf.yield %scan3A_30 : i32
    }
    %scan3A_22 = arith.constant 80 : i32
    %barrier3A_23 = arith.constant 0 : index
    tpu.barrier barrier_id(%barrier3A_23)
    %mul3A_24 = arith.constant 640 : i32
    %mul3A_25 = arith.muli %arg1, %mul3A_24 : i32
    %mul3A_26 = arith.constant 640 : i32
    %mul3A_27 = arith.muli %arg1, %mul3A_26 : i32
    "tpu.region"() ({
      %run_scoped3A = tpu.sem_alloc : memref<!tpu.dma_semaphore, #tpu.memory_space<semaphore_mem>>
      %dma_start3A = tpu.memref_slice %arg3[%arg0, %mul3A_27] : memref<2x10240xf32, #tpu.memory_space<hbm>> -> memref<1x640xf32, #tpu.memory_space<hbm>>
      %dma_start3A_28 = tpu.memref_squeeze %dma_start3A : memref<1x640xf32, #tpu.memory_space<hbm>> -> memref<640xf32, #tpu.memory_space<hbm>>
      %dma_start3A_29 = tpu.memref_slice %arg7[%mul3A_25] : memref<10240xf32, #tpu.memory_space<vmem_shared>> -> memref<640xf32, #tpu.memory_space<vmem_shared>>
      tpu.enqueue_dma source(%dma_start3A_29 : memref<640xf32, #tpu.memory_space<vmem_shared>>) target(%dma_start3A_28 : memref<640xf32, #tpu.memory_space<hbm>>) target_semaphore(%run_scoped3A : memref<!tpu.dma_semaphore, #tpu.memory_space<semaphore_mem>>)
      %dma_wait3A = tpu.memref_slice %arg3[%arg0, %mul3A_27] : memref<2x10240xf32, #tpu.memory_space<hbm>> -> memref<1x640xf32, #tpu.memory_space<hbm>>
      %dma_wait3A_30 = tpu.memref_squeeze %dma_wait3A : memref<1x640xf32, #tpu.memory_space<hbm>> -> memref<640xf32, #tpu.memory_space<hbm>>
      %dma_wait3A_31 = tpu.memref_slice %arg7[%mul3A_25] : memref<10240xf32, #tpu.memory_space<vmem_shared>> -> memref<640xf32, #tpu.memory_space<vmem_shared>>
      tpu.wait_dma2 semaphore(%run_scoped3A : memref<!tpu.dma_semaphore, #tpu.memory_space<semaphore_mem>>) src(%dma_wait3A_31 : memref<640xf32, #tpu.memory_space<vmem_shared>>) dst(%dma_wait3A_30 : memref<640xf32, #tpu.memory_space<hbm>>)
      tpu.yield
    }) : () -> ()
    return
  }
}

module attributes {stable_mosaic.version = 14 : i64} {
  func.func @body(%arg0: i32, %arg1: memref<2048x128xf32, #tpu.memory_space<vmem>>, %arg2: memref<128x64xf32, #tpu.memory_space<vmem>>, %arg3: memref<2x2048xf32, #tpu.memory_space<vmem>>, %arg4: memref<2048x64xf32, #tpu.memory_space<vmem>>, %arg5: memref<2048xf32, #tpu.memory_space<vmem>>) attributes {dimension_semantics = [#tpu.dimension_semantics<arbitrary>], iteration_bounds = array<i64: 5>, scalar_prefetch = 0 : i64, scratch_operands = 0 : i64, tpu.core_type = #tpu.core_type<tc>, window_params = [{transform_indices = @transform_0, window_bounds = array<i64: 2048, 128>}, {pipeline_mode = #tpu.pipeline_mode<synchronous>, transform_indices = @transform_1, window_bounds = array<i64: 128, 64>}, {transform_indices = @transform_2, window_bounds = array<i64: 2, 2048>}, {transform_indices = @transform_3, window_bounds = array<i64: 2048, 64>}, {transform_indices = @transform_4, window_bounds = array<i64: 2048>}]} {
    %get3A = arith.constant 0 : index
    %get3A_0 = arith.constant 0 : index
    %get3A_1 = vector.load %arg3[%get3A, %get3A_0] : memref<2x2048xf32, #tpu.memory_space<vmem>>, vector<1x2048xf32>
    %get3A_2 = vector.shape_cast %get3A_1 : vector<1x2048xf32> to vector<2048xf32>
    %get3A_3 = arith.constant 1 : index
    %get3A_4 = arith.constant 0 : index
    %get3A_5 = vector.load %arg3[%get3A_3, %get3A_4] : memref<2x2048xf32, #tpu.memory_space<vmem>>, vector<1x2048xf32>
    %get3A_6 = vector.shape_cast %get3A_5 : vector<1x2048xf32> to vector<2048xf32>
    %add3A = arith.addf %get3A_2, %get3A_6 : vector<2048xf32>
    %add3A_7 = arith.constant 1.000000e+00 : f32
    %add3A_8 = vector.broadcast %add3A_7 : f32 to vector<2048xf32>
    %add3A_9 = arith.addf %add3A, %add3A_8 : vector<2048xf32>
    %rsqrt3A = math.rsqrt %add3A_9 : vector<2048xf32>
    %swap3A = arith.constant 0 : index
    %swap3A_10 = vector.load %arg5[%swap3A] : memref<2048xf32, #tpu.memory_space<vmem>>, vector<2048xf32>
    tpu.vector_store %arg5[%swap3A], %rsqrt3A {strides = array<i32>} : memref<2048xf32, #tpu.memory_space<vmem>>, vector<2048xf32>,
    %get3A_11 = arith.constant 0 : index
    %get3A_12 = arith.constant 0 : index
    %get3A_13 = vector.load %arg1[%get3A_11, %get3A_12] : memref<2048x128xf32, #tpu.memory_space<vmem>>, vector<2048x128xf32>
    %get3A_14 = arith.constant 0 : index
    %get3A_15 = arith.constant 0 : index
    %get3A_16 = vector.load %arg2[%get3A_14, %get3A_15] : memref<128x64xf32, #tpu.memory_space<vmem>>, vector<128x64xf32>
    %dot_general3A = arith.constant dense<0.000000e+00> : vector<2048x64xf32>
    %dot_general3A_17 = tpu.matmul %get3A_13, %get3A_16, %dot_general3A {dimension_numbers = #tpu.dot_dimension_numbers<[1], [0], [0], [1], [0, 0, 1, 1], [], []>, transpose_lhs_hint = false} : vector<2048x128xf32>, vector<128x64xf32>, vector<2048x64xf32> -> vector<2048x64xf32>
    %broadcast_in_dim3A = vector.shape_cast %rsqrt3A : vector<2048xf32> to vector<2048x1xf32>
    %mul3A = vector.broadcast %broadcast_in_dim3A : vector<2048x1xf32> to vector<2048x64xf32>
    %mul3A_18 = arith.mulf %dot_general3A_17, %mul3A : vector<2048x64xf32>
    %swap3A_19 = arith.constant 0 : index
    %swap3A_20 = arith.constant 0 : index
    %swap3A_21 = vector.load %arg4[%swap3A_19, %swap3A_20] : memref<2048x64xf32, #tpu.memory_space<vmem>>, vector<2048x64xf32>
    tpu.vector_store %arg4[%swap3A_19, %swap3A_20], %mul3A_18 {strides = array<i32>} : memref<2048x64xf32, #tpu.memory_space<vmem>>, vector<2048x64xf32>,
    return
  }
  func.func @transform_0(%arg0: i32) -> (i32, i32) {
    %c0_i32 = arith.constant 0 : i32
    %c0_i32_0 = arith.constant 0 : i32
    return %arg0, %c0_i32 : i32, i32
  }
  func.func @transform_1(%arg0: i32) -> (i32, i32) {
    %c0_i32 = arith.constant 0 : i32
    %c0_i32_0 = arith.constant 0 : i32
    %c0_i32_1 = arith.constant 0 : i32
    return %c0_i32, %c0_i32_0 : i32, i32
  }
  func.func @transform_2(%arg0: i32) -> (i32, i32) {
    %c0_i32 = arith.constant 0 : i32
    %c0_i32_0 = arith.constant 0 : i32
    return %c0_i32, %arg0 : i32, i32
  }
  func.func @transform_3(%arg0: i32) -> (i32, i32) {
    %c0_i32 = arith.constant 0 : i32
    %c0_i32_0 = arith.constant 0 : i32
    return %arg0, %c0_i32 : i32, i32
  }
  func.func @transform_4(%arg0: i32) -> i32 {
    %c0_i32 = arith.constant 0 : i32
    return %arg0 : i32
  }
}

module attributes {stable_mosaic.version = 14 : i64} {
  func.func @body(%arg0: i32, %arg1: memref<2x2048x64xf32, #tpu.memory_space<vmem>>, %arg2: memref<2048x64xf32, #tpu.memory_space<vmem>>, %arg3: memref<2048xf32, #tpu.memory_space<vmem>>, %arg4: memref<1x64xf32, #tpu.memory_space<vmem>>, %arg5: memref<64x32xf32, #tpu.memory_space<vmem>>, %arg6: memref<2048x32xf32, #tpu.memory_space<vmem>>) attributes {dimension_semantics = [#tpu.dimension_semantics<arbitrary>], iteration_bounds = array<i64: 5>, scalar_prefetch = 0 : i64, scratch_operands = 0 : i64, tpu.core_type = #tpu.core_type<tc>, window_params = [{transform_indices = @transform_0, window_bounds = array<i64: 2, 2048, 64>}, {transform_indices = @transform_1, window_bounds = array<i64: 2048, 64>}, {transform_indices = @transform_2, window_bounds = array<i64: 2048>}, {pipeline_mode = #tpu.pipeline_mode<synchronous>, transform_indices = @transform_3, window_bounds = array<i64: 1, 64>}, {pipeline_mode = #tpu.pipeline_mode<synchronous>, transform_indices = @transform_4, window_bounds = array<i64: 64, 32>}, {transform_indices = @transform_5, window_bounds = array<i64: 2048, 32>}]} {
    %get3A = arith.constant 0 : index
    %get3A_0 = arith.constant 0 : index
    %get3A_1 = arith.constant 0 : index
    %get3A_2 = vector.load %arg1[%get3A, %get3A_0, %get3A_1] : memref<2x2048x64xf32, #tpu.memory_space<vmem>>, vector<1x2048x64xf32>
    %get3A_3 = vector.shape_cast %get3A_2 : vector<1x2048x64xf32> to vector<2048x64xf32>
    %get3A_4 = arith.constant 1 : index
    %get3A_5 = arith.constant 0 : index
    %get3A_6 = arith.constant 0 : index
    %get3A_7 = vector.load %arg1[%get3A_4, %get3A_5, %get3A_6] : memref<2x2048x64xf32, #tpu.memory_space<vmem>>, vector<1x2048x64xf32>
    %get3A_8 = vector.shape_cast %get3A_7 : vector<1x2048x64xf32> to vector<2048x64xf32>
    %add3A = arith.addf %get3A_3, %get3A_8 : vector<2048x64xf32>
    %get3A_9 = arith.constant 0 : index
    %get3A_10 = vector.load %arg3[%get3A_9] : memref<2048xf32, #tpu.memory_space<vmem>>, vector<2048xf32>
    %get3A_11 = arith.constant 0 : index
    %get3A_12 = arith.constant 0 : index
    %get3A_13 = vector.load %arg2[%get3A_11, %get3A_12] : memref<2048x64xf32, #tpu.memory_space<vmem>>, vector<2048x64xf32>
    %add3A_14 = arith.addf %add3A, %get3A_13 : vector<2048x64xf32>
    %broadcast_in_dim3A = vector.shape_cast %get3A_10 : vector<2048xf32> to vector<2048x1xf32>
    %mul3A = vector.broadcast %broadcast_in_dim3A : vector<2048x1xf32> to vector<2048x64xf32>
    %mul3A_15 = arith.mulf %add3A_14, %mul3A : vector<2048x64xf32>
    %get3A_16 = arith.constant 0 : index
    %get3A_17 = arith.constant 0 : index
    %get3A_18 = vector.load %arg4[%get3A_16, %get3A_17] : memref<1x64xf32, #tpu.memory_space<vmem>>, vector<1x64xf32>
    %get3A_19 = vector.shape_cast %get3A_18 : vector<1x64xf32> to vector<64xf32>
    %broadcast_in_dim3A_20 = vector.shape_cast %get3A_19 : vector<64xf32> to vector<1x64xf32>
    %add3A_21 = vector.broadcast %broadcast_in_dim3A_20 : vector<1x64xf32> to vector<2048x64xf32>
    %add3A_22 = arith.addf %mul3A_15, %add3A_21 : vector<2048x64xf32>
    %max3A = arith.constant 0.000000e+00 : f32
    %max3A_23 = vector.broadcast %max3A : f32 to vector<2048x64xf32>
    %max3A_24 = arith.maximumf %add3A_22, %max3A_23 : vector<2048x64xf32>
    %get3A_25 = arith.constant 0 : index
    %get3A_26 = arith.constant 0 : index
    %get3A_27 = vector.load %arg5[%get3A_25, %get3A_26] : memref<64x32xf32, #tpu.memory_space<vmem>>, vector<64x32xf32>
    %dot_general3A = arith.constant dense<0.000000e+00> : vector<2048x32xf32>
    %dot_general3A_28 = tpu.matmul %max3A_24, %get3A_27, %dot_general3A {dimension_numbers = #tpu.dot_dimension_numbers<[1], [0], [0], [1], [0, 0, 1, 1], [], []>, transpose_lhs_hint = false} : vector<2048x64xf32>, vector<64x32xf32>, vector<2048x32xf32> -> vector<2048x32xf32>
    %broadcast_in_dim3A_29 = vector.shape_cast %get3A_10 : vector<2048xf32> to vector<2048x1xf32>
    %mul3A_30 = vector.broadcast %broadcast_in_dim3A_29 : vector<2048x1xf32> to vector<2048x32xf32>
    %mul3A_31 = arith.mulf %dot_general3A_28, %mul3A_30 : vector<2048x32xf32>
    %mul3A_32 = arith.constant 2048 : i32
    %mul3A_33 = arith.muli %arg0, %mul3A_32 : i32
    %iota3A = tpu.iota {dimensions = array<i32: 0>} : vector<2048x1xi32>
    %add3A_34 = vector.broadcast %mul3A_33 : i32 to vector<2048x1xi32>
    %add3A_35 = arith.addi %add3A_34, %iota3A : vector<2048x1xi32>
    %lt3A = arith.constant 10000 : i32
    %lt3A_36 = vector.broadcast %lt3A : i32 to vector<2048x1xi32>
    %lt3A_37 = arith.cmpi slt, %add3A_35, %lt3A_36 : vector<2048x1xi32>
    %jit3A = arith.constant 0.000000e+00 : f32
    %broadcast_in_dim3A_38 = vector.shape_cast %lt3A_37 : vector<2048x1xi1> to vector<2048x1xi1>
    %broadcast_in_dim3A_39 = vector.broadcast %broadcast_in_dim3A_38 : vector<2048x1xi1> to vector<2048x32xi1>
    %broadcast_in_dim3A_40 = vector.broadcast %jit3A : f32 to vector<2048x32xf32>
    %select_n3A = arith.select %broadcast_in_dim3A_39, %mul3A_31, %broadcast_in_dim3A_40 : vector<2048x32xi1>, vector<2048x32xf32>
    %swap3A = arith.constant 0 : index
    %swap3A_41 = arith.constant 0 : index
    %swap3A_42 = vector.load %arg6[%swap3A, %swap3A_41] : memref<2048x32xf32, #tpu.memory_space<vmem>>, vector<2048x32xf32>
    tpu.vector_store %arg6[%swap3A, %swap3A_41], %select_n3A {strides = array<i32>} : memref<2048x32xf32, #tpu.memory_space<vmem>>, vector<2048x32xf32>,
    return
  }
  func.func @transform_0(%arg0: i32) -> (i32, i32, i32) {
    %c0_i32 = arith.constant 0 : i32
    %c0_i32_0 = arith.constant 0 : i32
    %c0_i32_1 = arith.constant 0 : i32
    return %c0_i32, %arg0, %c0_i32_0 : i32, i32, i32
  }
  func.func @transform_1(%arg0: i32) -> (i32, i32) {
    %c0_i32 = arith.constant 0 : i32
    %c0_i32_0 = arith.constant 0 : i32
    return %arg0, %c0_i32 : i32, i32
  }
  func.func @transform_2(%arg0: i32) -> i32 {
    %c0_i32 = arith.constant 0 : i32
    return %arg0 : i32
  }
  func.func @transform_3(%arg0: i32) -> (i32, i32) {
    %c0_i32 = arith.constant 0 : i32
    %c0_i32_0 = arith.constant 0 : i32
    %c0_i32_1 = arith.constant 0 : i32
    return %c0_i32, %c0_i32_0 : i32, i32
  }
  func.func @transform_4(%arg0: i32) -> (i32, i32) {
    %c0_i32 = arith.constant 0 : i32
    %c0_i32_0 = arith.constant 0 : i32
    %c0_i32_1 = arith.constant 0 : i32
    return %c0_i32, %c0_i32_0 : i32, i32
  }
  func.func @transform_5(%arg0: i32) -> (i32, i32) {
    %c0_i32 = arith.constant 0 : i32
    %c0_i32_0 = arith.constant 0 : i32
    return %arg0, %c0_i32 : i32, i32
  }
}

module attributes {stable_mosaic.version = 14 : i64} {
  func.func @body(%arg0: i32, %arg1: memref<2x2048x32xf32, #tpu.memory_space<vmem>>, %arg2: memref<2048x32xf32, #tpu.memory_space<vmem>>, %arg3: memref<2048xf32, #tpu.memory_space<vmem>>, %arg4: memref<1x32xf32, #tpu.memory_space<vmem>>, %arg5: memref<32x40xf32, #tpu.memory_space<vmem>>, %arg6: memref<1x40xf32, #tpu.memory_space<vmem>>, %arg7: memref<2048x40xf32, #tpu.memory_space<vmem>>) attributes {dimension_semantics = [#tpu.dimension_semantics<arbitrary>], iteration_bounds = array<i64: 5>, scalar_prefetch = 0 : i64, scratch_operands = 0 : i64, tpu.core_type = #tpu.core_type<tc>, window_params = [{transform_indices = @transform_0, window_bounds = array<i64: 2, 2048, 32>}, {transform_indices = @transform_1, window_bounds = array<i64: 2048, 32>}, {transform_indices = @transform_2, window_bounds = array<i64: 2048>}, {pipeline_mode = #tpu.pipeline_mode<synchronous>, transform_indices = @transform_3, window_bounds = array<i64: 1, 32>}, {pipeline_mode = #tpu.pipeline_mode<synchronous>, transform_indices = @transform_4, window_bounds = array<i64: 32, 40>}, {pipeline_mode = #tpu.pipeline_mode<synchronous>, transform_indices = @transform_5, window_bounds = array<i64: 1, 40>}, {transform_indices = @transform_6, window_bounds = array<i64: 2048, 40>}]} {
    %get3A = arith.constant 0 : index
    %get3A_0 = arith.constant 0 : index
    %get3A_1 = arith.constant 0 : index
    %get3A_2 = vector.load %arg1[%get3A, %get3A_0, %get3A_1] : memref<2x2048x32xf32, #tpu.memory_space<vmem>>, vector<1x2048x32xf32>
    %get3A_3 = vector.shape_cast %get3A_2 : vector<1x2048x32xf32> to vector<2048x32xf32>
    %get3A_4 = arith.constant 1 : index
    %get3A_5 = arith.constant 0 : index
    %get3A_6 = arith.constant 0 : index
    %get3A_7 = vector.load %arg1[%get3A_4, %get3A_5, %get3A_6] : memref<2x2048x32xf32, #tpu.memory_space<vmem>>, vector<1x2048x32xf32>
    %get3A_8 = vector.shape_cast %get3A_7 : vector<1x2048x32xf32> to vector<2048x32xf32>
    %add3A = arith.addf %get3A_3, %get3A_8 : vector<2048x32xf32>
    %get3A_9 = arith.constant 0 : index
    %get3A_10 = vector.load %arg3[%get3A_9] : memref<2048xf32, #tpu.memory_space<vmem>>, vector<2048xf32>
    %get3A_11 = arith.constant 0 : index
    %get3A_12 = arith.constant 0 : index
    %get3A_13 = vector.load %arg2[%get3A_11, %get3A_12] : memref<2048x32xf32, #tpu.memory_space<vmem>>, vector<2048x32xf32>
    %add3A_14 = arith.addf %add3A, %get3A_13 : vector<2048x32xf32>
    %broadcast_in_dim3A = vector.shape_cast %get3A_10 : vector<2048xf32> to vector<2048x1xf32>
    %mul3A = vector.broadcast %broadcast_in_dim3A : vector<2048x1xf32> to vector<2048x32xf32>
    %mul3A_15 = arith.mulf %add3A_14, %mul3A : vector<2048x32xf32>
    %get3A_16 = arith.constant 0 : index
    %get3A_17 = arith.constant 0 : index
    %get3A_18 = vector.load %arg4[%get3A_16, %get3A_17] : memref<1x32xf32, #tpu.memory_space<vmem>>, vector<1x32xf32>
    %get3A_19 = vector.shape_cast %get3A_18 : vector<1x32xf32> to vector<32xf32>
    %broadcast_in_dim3A_20 = vector.shape_cast %get3A_19 : vector<32xf32> to vector<1x32xf32>
    %add3A_21 = vector.broadcast %broadcast_in_dim3A_20 : vector<1x32xf32> to vector<2048x32xf32>
    %add3A_22 = arith.addf %mul3A_15, %add3A_21 : vector<2048x32xf32>
    %max3A = arith.constant 0.000000e+00 : f32
    %max3A_23 = vector.broadcast %max3A : f32 to vector<2048x32xf32>
    %max3A_24 = arith.maximumf %add3A_22, %max3A_23 : vector<2048x32xf32>
    %mul3A_25 = arith.constant 2048 : i32
    %mul3A_26 = arith.muli %arg0, %mul3A_25 : i32
    %iota3A = tpu.iota {dimensions = array<i32: 0>} : vector<2048x1xi32>
    %add3A_27 = vector.broadcast %mul3A_26 : i32 to vector<2048x1xi32>
    %add3A_28 = arith.addi %add3A_27, %iota3A : vector<2048x1xi32>
    %lt3A = arith.constant 10000 : i32
    %lt3A_29 = vector.broadcast %lt3A : i32 to vector<2048x1xi32>
    %lt3A_30 = arith.cmpi slt, %add3A_28, %lt3A_29 : vector<2048x1xi32>
    %jit3A = arith.constant 0.000000e+00 : f32
    %broadcast_in_dim3A_31 = vector.shape_cast %lt3A_30 : vector<2048x1xi1> to vector<2048x1xi1>
    %broadcast_in_dim3A_32 = vector.broadcast %broadcast_in_dim3A_31 : vector<2048x1xi1> to vector<2048x32xi1>
    %broadcast_in_dim3A_33 = vector.broadcast %jit3A : f32 to vector<2048x32xf32>
    %select_n3A = arith.select %broadcast_in_dim3A_32, %max3A_24, %broadcast_in_dim3A_33 : vector<2048x32xi1>, vector<2048x32xf32>
    %get3A_34 = arith.constant 0 : index
    %get3A_35 = arith.constant 0 : index
    %get3A_36 = vector.load %arg5[%get3A_34, %get3A_35] : memref<32x40xf32, #tpu.memory_space<vmem>>, vector<32x40xf32>
    %dot_general3A = arith.constant dense<0.000000e+00> : vector<2048x40xf32>
    %dot_general3A_37 = tpu.matmul %select_n3A, %get3A_36, %dot_general3A {dimension_numbers = #tpu.dot_dimension_numbers<[1], [0], [0], [1], [0, 0, 1, 1], [], []>, transpose_lhs_hint = false} : vector<2048x32xf32>, vector<32x40xf32>, vector<2048x40xf32> -> vector<2048x40xf32>
    %get3A_38 = arith.constant 0 : index
    %get3A_39 = arith.constant 0 : index
    %get3A_40 = vector.load %arg6[%get3A_38, %get3A_39] : memref<1x40xf32, #tpu.memory_space<vmem>>, vector<1x40xf32>
    %get3A_41 = vector.shape_cast %get3A_40 : vector<1x40xf32> to vector<40xf32>
    %broadcast_in_dim3A_42 = vector.shape_cast %get3A_41 : vector<40xf32> to vector<1x40xf32>
    %add3A_43 = vector.broadcast %broadcast_in_dim3A_42 : vector<1x40xf32> to vector<2048x40xf32>
    %add3A_44 = arith.addf %dot_general3A_37, %add3A_43 : vector<2048x40xf32>
    %reduce_max3A = arith.constant dense<0xFF800000> : vector<2048xf32>
    %reduce_max3A_45 = vector.multi_reduction <maximumf>, %add3A_44, %reduce_max3A [1] : vector<2048x40xf32> to vector<2048xf32>
    %broadcast_in_dim3A_46 = vector.shape_cast %reduce_max3A_45 : vector<2048xf32> to vector<2048x1xf32>
    %sub3A = vector.broadcast %broadcast_in_dim3A_46 : vector<2048x1xf32> to vector<2048x40xf32>
    %sub3A_47 = arith.subf %add3A_44, %sub3A : vector<2048x40xf32>
    %exp3A = math.exp %sub3A_47 : vector<2048x40xf32>
    %reduce_sum3A = arith.constant dense<0.000000e+00> : vector<2048xf32>
    %reduce_sum3A_48 = vector.multi_reduction <add>, %exp3A, %reduce_sum3A [1] : vector<2048x40xf32> to vector<2048xf32>
    %broadcast_in_dim3A_49 = vector.shape_cast %reduce_sum3A_48 : vector<2048xf32> to vector<2048x1xf32>
    %log3A = math.log %broadcast_in_dim3A_49 : vector<2048x1xf32>
    %add3A_50 = arith.addf %log3A, %broadcast_in_dim3A_46 : vector<2048x1xf32>
    %sub3A_51 = vector.broadcast %add3A_50 : vector<2048x1xf32> to vector<2048x40xf32>
    %sub3A_52 = arith.subf %add3A_44, %sub3A_51 : vector<2048x40xf32>
    %swap3A = arith.constant 0 : index
    %swap3A_53 = arith.constant 0 : index
    %swap3A_54 = vector.load %arg7[%swap3A, %swap3A_53] : memref<2048x40xf32, #tpu.memory_space<vmem>>, vector<2048x40xf32>
    tpu.vector_store %arg7[%swap3A, %swap3A_53], %sub3A_52 {strides = array<i32>} : memref<2048x40xf32, #tpu.memory_space<vmem>>, vector<2048x40xf32>,
    return
  }
  func.func @transform_0(%arg0: i32) -> (i32, i32, i32) {
    %c0_i32 = arith.constant 0 : i32
    %c0_i32_0 = arith.constant 0 : i32
    %c0_i32_1 = arith.constant 0 : i32
    return %c0_i32, %arg0, %c0_i32_0 : i32, i32, i32
  }
  func.func @transform_1(%arg0: i32) -> (i32, i32) {
    %c0_i32 = arith.constant 0 : i32
    %c0_i32_0 = arith.constant 0 : i32
    return %arg0, %c0_i32 : i32, i32
  }
  func.func @transform_2(%arg0: i32) -> i32 {
    %c0_i32 = arith.constant 0 : i32
    return %arg0 : i32
  }
  func.func @transform_3(%arg0: i32) -> (i32, i32) {
    %c0_i32 = arith.constant 0 : i32
    %c0_i32_0 = arith.constant 0 : i32
    %c0_i32_1 = arith.constant 0 : i32
    return %c0_i32, %c0_i32_0 : i32, i32
  }
  func.func @transform_4(%arg0: i32) -> (i32, i32) {
    %c0_i32 = arith.constant 0 : i32
    %c0_i32_0 = arith.constant 0 : i32
    %c0_i32_1 = arith.constant 0 : i32
    return %c0_i32, %c0_i32_0 : i32, i32
  }
  func.func @transform_5(%arg0: i32) -> (i32, i32) {
    %c0_i32 = arith.constant 0 : i32
    %c0_i32_0 = arith.constant 0 : i32
    %c0_i32_1 = arith.constant 0 : i32
    return %c0_i32, %c0_i32_0 : i32, i32
  }
  func.func @transform_6(%arg0: i32) -> (i32, i32) {
    %c0_i32 = arith.constant 0 : i32
    %c0_i32_0 = arith.constant 0 : i32
    return %arg0, %c0_i32 : i32, i32
  }
}

</mosaic_0001>

<sc_bundles>
// kernel: kernel.11.cloned.1.call-start
scs
__scs_entry_jumppad:
0x0: {  	(pc) =	sbr.rel $0x88, $3  }
0x1: {  	(tag) =	ssettag $0x0;
	lr =	simm.s32 $0x1  }
0x2: {  	[smem:$0x3F99] =	sst lr;
	_ =	strace $0xD0000000  }
0x3: {  	_ = 	snop  }
0x4: {  	_ = 	snop  }
0x5: {  	_ = 	snop  }
0x6: {  	_ = 	snop  }
0x7: {  	_ = 	snop  }
__scs_overlays_trampoline_lowered:
0x8: {  	[smem:$0x3FA8] =	sst s0  }
0x9: {  	[smem:$0x3FA9] =	sst s1  }
0xa: {  	[smem:$0x3FAA] =	sst s2  }
0xb: {  	[smem:$0x3FAB] =	sst s3  }
0xc: {  	[smem:$0x3FAC] =	sst s4  }
0xd: {  	[smem:$0x3FAD] =	sst s5  }
0xe: {  	[smem:$0x3FAE] =	sst s6  }
0xf: {  	[smem:$0x3FAF] =	sst s7  }
0x10: {  	[smem:$0x3FB0] =	sst s8  }
0x11: {  	[smem:$0x3FB1] =	sst s9;
	s0 =	simm.s32 @!p0 $0x0  }
0x12: {  	s1 =	sld [smem:$0x3F97];
	s0 =	simm.s32 @p0 $0x1  }
0x13: {  	[smem:$0x3FB2] =	sst s0;
	s0 =	simm.s32 @!p1 $0x0  }
0x14: {  	s2 =	sld [smem:$0x3F96];
	s0 =	simm.s32 @p1 $0x1  }
0x15: {  	[smem:$0x3FB3] =	sst s0;
	s0 =	simm.s32 @!p2 $0x0  }
0x16: {  	s3 =	sld [smem:$0x3FDB];
	s0 =	simm.s32 @p2 $0x1  }
0x17: {  	s4 =	simm.s32 $0x1BF5;
	[smem:$0x3FB5] =	sst s0  }
0x18: {  	s0 =	sld [smem:$0x3F98];
	_ =	swait.ge [sflag:s4], $0x0  }
0x19: {  	s7 =	sld [smem:$0x3F99]  }
0x1a: {  	s8 =	sadd.s32 $0xFFFFE003, lr  }
0x1b: {  	s9 =	sadd.s32 $0xFFFFFEF7, lr;
	s5 =	simm.s32 $0xFFFFFFFF;
	p2 =	slt.u32 s8, $0xFFFFF086  }
0x1c: {  	p1 =	slt.u32 s9, $0xF7A;
	s5 =	simm.s32 @!p2 $0x0  }
0x1d: {  	s5 =	simm.s32 @p1 $0x1;
	p0 =	seq.s32 s7, s2  }
0x1e: {  	s7 =	smul.u32 @!p0 $0xF7A, s2;
	p2 =	seq.s32 @!p0 s5, $0x0  }
0x1f: {  	s9 =	smul.u32 $0xF7A, s1;
	s8 =	simm.s32 @!p0 $0x1BF5;
	p2 =	por !p2, p0  }
0x20: {  	[sflag:s8] =	ssyncset.s32 @!p0 $0xFFFFF086;
	s6 =	sadd.s32 @!p0 s3, s7;
	s7 =	simm.s32 @!p0 $0x108  }
0x21: {  	s3 =	sadd.s32 s3, s9;
	s6 =	sadd.s32 @!p0 $0x88, s6;
	s7 =	simm.s32 @p2 $0x1082  }
0x22: {  	[simem:s7], [sflag:s8] =	dma.local @!p0 [hbm:s6], $0xF7A  }
0x23: {  	s9 =	sor.u32 $0xD0000000, s2;
	s6 =	simm.s32 $0x108;
	_ =	swait.ge @!p0 [sflag:s8], $0x0  }
0x24: {  	s3 =	sadd.s32 $0x88, s3;
	s6 =	simm.s32 @!p1 $0x1082;
	[sflag:s4] =	ssyncset.s32 $0xFFFFF086  }
0x25: {  	[simem:s6], [sflag:s4] =	dma.local [hbm:s3], $0xF7A  }
0x26: {  	[smem:$0x3F99] =	sst s1;
	(tag) =	ssettag s2;
	_ =	strace s9  }
0x27: {  	s1 =	sld [smem:$0x3FA9]  }
0x28: {  	s2 =	sld [smem:$0x3FAA]  }
0x29: {  	s4 =	sld [smem:$0x3FAC]  }
0x2a: {  	p0 =	seq.s32 s5, $0x0;
	s5 =	sld [smem:$0x3FAD]  }
0x2b: {  	s6 =	sld [smem:$0x3FAE]  }
0x2c: {  	s7 =	sld [smem:$0x3FAF]  }
0x2d: {  	s3 =	simm.s32 $0x108;
	s8 =	sld [smem:$0x3FB0]  }
0x2e: {  	s3 =	simm.s32 @!p0 $0x1082;
	s9 =	sld [smem:$0x3FB1]  }
0x2f: {  	lr =	sadd.s32 s0, s3;
	s0 =	sld [smem:$0x3FA8]  }
0x30: {  	s3 =	sld [smem:$0x3FAB]  }
0x31: {  	[smem:$0x3FB4] =	sst s10  }
0x32: {  	s10 =	sld [smem:$0x3FB2];
	_ =	sdelay $0x3  }
0x33: {  	p0 =	seq.s32 s10, $0x1;
	s10 =	sld [smem:$0x3FB4];
	_ =	sdelay $0x3  }
0x34: {  	[smem:$0x3FB4] =	sst s10  }
0x35: {  	s10 =	sld [smem:$0x3FB3];
	_ =	sdelay $0x3  }
0x36: {  	p1 =	seq.s32 s10, $0x1;
	s10 =	sld [smem:$0x3FB4];
	_ =	sdelay $0x3  }
0x37: {  	[smem:$0x3FB4] =	sst s10  }
0x38: {  	s10 =	sld [smem:$0x3FB5]  }
0x39: {  	_ = 	snop;
	(pc) =	sbr.ind lr, $3  }
0x3a: {  	_ = 	snop  }
0x3b: {  	_ = 	snop  }
0x3c: {  	p2 =	seq.s32 s10, $0x1;
	s10 =	sld [smem:$0x3FB4]  }
0x3d: {  	_ =	shalt  }
0x3e: {  	_ =	shalt  }
0x3f: {  	_ =	shalt  }
0x40: {  	_ =	shalt  }
0x41: {  	_ =	shalt  }
0x42: {  	_ =	shalt  }
0x43: {  	_ =	shalt  }
0x44: {  	_ =	shalt  }
0x45: {  	_ =	shalt  }
0x46: {  	_ =	shalt  }
0x47: {  	_ =	shalt  }
0x48: {  	_ =	shalt  }
0x49: {  	_ =	shalt  }
0x4a: {  	_ =	shalt  }
0x4b: {  	_ =	shalt  }
0x4c: {  	_ =	shalt  }
0x4d: {  	_ =	shalt  }
0x4e: {  	_ =	shalt  }
0x4f: {  	_ =	shalt  }
0x50: {  	_ =	shalt  }
0x51: {  	_ =	shalt  }
0x52: {  	_ =	shalt  }
0x53: {  	_ =	shalt  }
0x54: {  	_ =	shalt  }
0x55: {  	_ =	shalt  }
0x56: {  	_ =	shalt  }
0x57: {  	_ =	shalt  }
0x58: {  	_ =	shalt  }
0x59: {  	_ =	shalt  }
0x5a: {  	_ =	shalt  }
0x5b: {  	_ =	shalt  }
0x5c: {  	_ =	shalt  }
0x5d: {  	_ =	shalt  }
0x5e: {  	_ =	shalt  }
0x5f: {  	_ =	shalt  }
0x60: {  	_ =	shalt  }
0x61: {  	_ =	shalt  }
0x62: {  	_ =	shalt  }
0x63: {  	_ =	shalt  }
0x64: {  	_ =	shalt  }
0x65: {  	_ =	shalt  }
0x66: {  	_ =	shalt  }
0x67: {  	_ =	shalt  }
0x68: {  	_ =	shalt  }
0x69: {  	_ =	shalt  }
0x6a: {  	_ =	shalt  }
0x6b: {  	_ =	shalt  }
0x6c: {  	_ =	shalt  }
0x6d: {  	_ =	shalt  }
0x6e: {  	_ =	shalt  }
0x6f: {  	_ =	shalt  }
0x70: {  	_ =	shalt  }
0x71: {  	_ =	shalt  }
0x72: {  	_ =	shalt  }
0x73: {  	_ =	shalt  }
0x74: {  	_ =	shalt  }
0x75: {  	_ =	shalt  }
0x76: {  	_ =	shalt  }
0x77: {  	_ =	shalt  }
0x78: {  	_ =	shalt  }
0x79: {  	_ =	shalt  }
0x7a: {  	_ =	shalt  }
0x7b: {  	_ =	shalt  }
0x7c: {  	_ =	shalt  }
0x7d: {  	_ =	shalt  }
0x7e: {  	_ =	shalt  }
0x7f: {  	_ =	shalt  }
0x80: {  	_ =	shalt  }
0x81: {  	_ =	shalt  }
0x82: {  	_ =	shalt  }
0x83: {  	_ =	shalt  }
0x84: {  	_ =	shalt  }
0x85: {  	_ =	shalt  }
0x86: {  	_ =	shalt  }
0x87: {  	_ =	shalt  }
.Lfunc_end0:
.L_simem_size_0:
called_computation.1_lowered:
.L_overlay_start_0:
0x88: {  	s2 =	sld [smem:$0x3FD9]  }
0x89: {  	s3 =	sld [smem:$0x3FFE];
	_ =	sdelay $0x1  }
0x8a: {  	s1 =	srdreg.scid  }
0x8b: {  	s0 =	sand.u32 $0x1, s1  }
0x8c: {  	s16 =	sshll.u32 s0, $0xA;
	s2 =	sadd.s32 s3, s2  }
0x8d: {  	s2 =	sadd.s32 s2, s16  }
0x8e: {  	[smem:$0x3FC0] =	sst s2  }
0x8f: {  	_ = 	snop  }
0x90: {  	(tm) =	ssettm $0x1  }
0x91: {  	s17 =	sld [smem:$0x3FFB];
	_ =	sdelay $0x3  }
0x92: {  	_ =	strace s17  }
0x93: {  	s2 =	sld [smem:$0x3FFC];
	_ =	sdelay $0x3  }
0x94: {  	_ =	strace s2  }
0x95: {  	s2 =	sld [smem:$0x3FFD];
	_ =	sdelay $0x3  }
0x96: {  	_ =	strace s2  }
0x97: {  	_ =	strace $0x8FFFFFFF  }
0x98: {  	s18 =	sld [smem:$0x3FDB];
	_ =	sdelay $0x1  }
0x99: {  	s19 =	simm.s32 $_scs_section_size  }
0x9a: {  	s4 =	simm.s32 $_size__tile_overlayer_lowered;
	s5 =	simm.s32 $_tile_overlayer_lowered  }
0x9b: {  	s22 =	simm.s32 $0x1BFF;
	s21 =	sshll.u32 s5, $0x1;
	s2 =	sadd.s32 s19, s18  }
0x9c: {  	s6 =	simm.s32 $0x0;
	s20 =	sshll.u32 s4, $0x1;
	s4 =	sadd.s32 s21, s2  }
0x9d: {  	[timem:s6], [sflag:s22] =	dma.local [hbm:s4], s20  }
0x9e: {  	_ =	swait.ge [sflag:s22], s20  }
0x9f: {  	s3 =	ssub.s32 $0x0, s20;
	[sflag:s22] =	ssyncset.done $0x0  }
0xa0: {  	[sflag:s22] =	ssyncadd.s32 s3;
	_ =	sdelay $0x1  }
0xa1: {  	s23 =	simm.s32 $0x1B8B  }
0xa2: {  	_ =	swait.ge [sflag:s23], $0x1  }
0xa3: {  	[sflag:s23] =	ssyncset.done $0x0  }
0xa4: {  	s25 =	simm.s32 $0x1B8E;
	s24 =	sld [smem:$0x3FFE];
	[sflag:s23] =	ssyncadd.s32 $0xFFFFFFFF  }
0xa5: {  	s26 =	simm.s32 $execute0_lowered;
	[smem:$0x3FD2] =	sst s25  }
0xa6: {  	s4 =	sshll.u32 s26, $0x1;
	_ =	strace $0x80000049;
	[dreg:$0x1] =	wrdreg $0xFFFFFFFF  }
0xa7: {  	s28 =	simm.s32 $_size_execute0_lowered;
	s2 =	sadd.s32 s2, s4;
	[dreg:$0x0] =	wrdreg $0x0  }
0xa8: {  	s4 =	sshll.u32 s28, $0x1;
	[dreg:$0x2] =	wrdreg s2  }
0xa9: {  	[dreg:$0x3] =	wrdreg s4  }
0xaa: {  	[dreg:$0x4] =	wrdreg $0xC0  }
0xab: {  	_ =	task [dreg:s6], $0x5FFFF  }
0xac: {  	[dreg:$0x1] =	wrdreg $0xFFFFFFFF  }
0xad: {  	[dreg:$0x0] =	wrdreg $0x60  }
0xae: {  	[dreg:$0x2] =	wrdreg s24  }
0xaf: {  	[dreg:$0x3] =	wrdreg $0xBDC00  }
0xb0: {  	[dreg:$0x4] =	wrdreg $0x15DC00  }
0xb1: {  	[dreg:$0x5] =	wrdreg $0x9  }
0xb2: {  	_ =	task.clear_ibuf [dreg:s6], $0x6FFFF;
	_ =	strace $0x90000049  }
0xb3: {  	s29 =	simm.s32 $0x9;
	_ =	strace $0x8000004B  }
0xb4: {  	_ =	swait.ge [sflag:s29], $0x1  }
0xb5: {  	[sflag:s29] =	ssyncadd.s32 $0xFFFFFFFF  }
0xb6: {  	_ =	strace $0x9000004B  }
0xb7: {  	_ =	sfence  }
0xb8: {  	s30 =	sld [smem:$0x0];
	_ =	sdelay $0x2  }
0xb9: {  	s31 =	sshll.u32 s1, $0xD;
	s1 =	sshrl.u32 s1, $0x2  }
0xba: {  	s3 =	sand.u32 $0x4000, s31;
	s1 =	sadd.s32 s1, s30  }
0xbb: {  	s0 =	sor.u32 s3, s0;
	s1 =	sshll.u32 s1, $0x11  }
0xbc: {  	s0 =	sor.u32 s1, s0  }
0xbd: {  	s0 =	sadd.s32 $0x8F2B, s0  }
0xbe: {  	[sflag:s0] =	ssyncadd.remote.s32 $0x1  }
0xbf: {  	_ =	sfence.sel $0xFFFF  }
0xc0: {  	[dreg:$0x0] =	wrdreg $0xFFFFFFFF;
	(pc) =	sbr.abs _section_cstart, $3  }
0xc1: {  	[dreg:$0x1] =	wrdreg $0xFFFFFFFF  }
0xc2: {  	_ =	task.clear_ibuf [dreg:s6], $0x2FFFF;
	_ =	strace $0x9FFFFFFF  }
0xc3: {  	(tm) =	ssettm $0x7FFFFFFF  }
tec
execute0_lowered:
.L_overlay_start_1:
0x0: {  	(tag) =	ssettag $0x1  }
0x1: {  	s1 =	rddreg [dreg:$0x0]  }
0x2: {  	s0 =	srdreg.scid;
	s2 =	rddreg [dreg:$0x1]  }
0x3: {  	s8 =	stileid.u32;
	s3 =	rddreg [dreg:$0x2]  }
0x4: {  	s24 =	simm.s32 $0x0;
	s20 =	simm.s32 $0xADC0;
	s21 =	simm.s32 $0x3  }
0x5: {  	s23 =	simm.s32 $0x7D;
	s29 =	simm.s32 $0x1;
	s30 =	simm.s32 $0x2  }
0x6: {  	s31 =	simm.s32 $0x0;
	s0 =	sand.u32 $0x1, s0;
	s10 =	smul.u32 $0xA000, s8  }
0x7: {  	[smem:$0x7FF] =	sst s24;
	s4 =	sshll.u32 s0, $0x4;
	s7 =	smul.u32 $0xA0000, s0  }
0x8: {  	_ =	strace $0x8000004A;
	s0 =	ssub.s32 $0x2, s0;
	s5 =	sor.u32 s8, s4  }
0x9: {  	s6 =	sshrl.u32 s10, $0x3;
	s8 =	smul.u32 $0x28000, s8;
	s26 =	sshrl.u32 s0, $0x1  }
0xa: {  	s22 =	sadd.s32 s10, s3;
	s28 =	sadd.s32 s10, s2;
	s5 =	smul.u32 $0x500, s5  }
0xb: {  	s6 =	sadd.s32 s6, s1;
	s25 =	sadd.s32 s10, s7;
	s0 =	ssub.s32 s0, s26  }
0xc: {  	s22 =	sshrl.u32 s22, $0x3;
	s8 =	sshrl.u32 s8, $0x2;
	s6 =	sadd.s32 $0x16800, s6  }
0xd: {  	s10 =	smax.u32 s0, $0x1;
	s9 =	sadd.s32 s5, s1;
	s5 =	sshrl.u32 s25, $0x3  }
0xe: {  	s25 =	sshrl.u32 s28, $0x3;
	s1 =	sadd.s32 s5, s1;
	s5 =	sadd.s32 s8, s2  }
0xf: {  	s7 =	sadd.s32 $0xC800, s9;
	s8 =	sadd.s32 $0x2800, s9;
	s9 =	sadd.s32 $0x2A800, s1  }
0x10: {  	s11 =	sadd.s32 $0x1000, s5;
	s12 =	sadd.s32 $0x2000, s5;
	s13 =	sadd.s32 $0x3000, s5  }
0x11: {  	s14 =	sadd.s32 $0x4000, s5;
	s15 =	sadd.s32 $0x5000, s5;
	s16 =	sadd.s32 $0x6000, s5  }
0x12: {  	v0 =	vimm.f32 $0.0e+00;
	s17 =	sadd.s32 $0x7000, s5;
	s18 =	sadd.s32 $0x8000, s5;
	s19 =	sadd.s32 $0x9000, s5  }
.LBB2_1:
0x13: {  	s1 =	simm.s32 $0x0  }
0x14: {  	s0 =	sand.u32 $0x3F00, s1  }
0x15: {  	s1 =	sand.u32 $0x30, s1;
	s24 =	sshrl.u32 s0, $0x2  }
0x16: {  	s0 =	simm.s32 $0x40;
	s24 =	sor.u32 s1, s24;
	s1 =	simm.s32 $0x0  }
.LBB2_2:
0x17: {  	p0 =	sne.s32 s0, $0x3FC0  }
0x18: {  	[tilespmem:s24+$0xADC0] =	vst v0;
	s1 =	sadd.s32 $0x10, s1;
	s24 =	smov.u32 s0;
	s0 =	sadd.s32 $0x40, s0  }
.Ltmp0:
0x19: {  	(pc) =	sbr.rel @p0 .LBB2_2-.Ltmp0, $4  }
0x1a: {  	_ = 	snop  }
0x1b: {  	s24 =	sand.u32 $0x3F00, s24  }
0x1c: {  	s26 =	sand.u32 $0x30, s1;
	s24 =	sshrl.u32 s24, $0x2  }
0x1d: {  	s24 =	sor.u32 s26, s24  }
0x1e: {  	[tilespmem:s24+$0xADC0] =	vst v0  }
0x1f: {  	[spmem:s5] =	stream.linear.scatter [tilespmem:s20], [sflag:$0x3], $0x1000, $0x38;
	[tilespmem:$0x1FDC0] =	vst v63  }
0x20: {  	_ =	swait.ge [sflag:s21], $0x1000  }
0x21: {  	[sflag:s21] =	ssyncset.done $0x0  }
0x22: {  	[sflag:s21] =	ssyncadd.s32 $0xFFFFF000  }
0x23: {  	[spmem:s11] =	stream.linear.scatter [tilespmem:s20], [sflag:$0x3], $0x1000, $0x38;
	[tilespmem:$0x1FDC0] =	vst v63  }
0x24: {  	_ =	swait.ge [sflag:s21], $0x1000  }
0x25: {  	[sflag:s21] =	ssyncset.done $0x0  }
0x26: {  	[sflag:s21] =	ssyncadd.s32 $0xFFFFF000  }
0x27: {  	[spmem:s12] =	stream.linear.scatter [tilespmem:s20], [sflag:$0x3], $0x1000, $0x38;
	[tilespmem:$0x1FDC0] =	vst v63  }
0x28: {  	_ =	swait.ge [sflag:s21], $0x1000  }
0x29: {  	[sflag:s21] =	ssyncset.done $0x0  }
0x2a: {  	[sflag:s21] =	ssyncadd.s32 $0xFFFFF000  }
0x2b: {  	[spmem:s13] =	stream.linear.scatter [tilespmem:s20], [sflag:$0x3], $0x1000, $0x38;
	[tilespmem:$0x1FDC0] =	vst v63  }
0x2c: {  	_ =	swait.ge [sflag:s21], $0x1000  }
0x2d: {  	[sflag:s21] =	ssyncset.done $0x0  }
0x2e: {  	[sflag:s21] =	ssyncadd.s32 $0xFFFFF000  }
0x2f: {  	[spmem:s14] =	stream.linear.scatter [tilespmem:s20], [sflag:$0x3], $0x1000, $0x38;
	[tilespmem:$0x1FDC0] =	vst v63  }
0x30: {  	_ =	swait.ge [sflag:s21], $0x1000  }
0x31: {  	[sflag:s21] =	ssyncset.done $0x0  }
0x32: {  	[sflag:s21] =	ssyncadd.s32 $0xFFFFF000  }
0x33: {  	[spmem:s15] =	stream.linear.scatter [tilespmem:s20], [sflag:$0x3], $0x1000, $0x38;
	[tilespmem:$0x1FDC0] =	vst v63  }
0x34: {  	_ =	swait.ge [sflag:s21], $0x1000  }
0x35: {  	[sflag:s21] =	ssyncset.done $0x0  }
0x36: {  	[sflag:s21] =	ssyncadd.s32 $0xFFFFF000  }
0x37: {  	[spmem:s16] =	stream.linear.scatter [tilespmem:s20], [sflag:$0x3], $0x1000, $0x38;
	[tilespmem:$0x1FDC0] =	vst v63  }
0x38: {  	_ =	swait.ge [sflag:s21], $0x1000  }
0x39: {  	[sflag:s21] =	ssyncset.done $0x0  }
0x3a: {  	[sflag:s21] =	ssyncadd.s32 $0xFFFFF000  }
0x3b: {  	[spmem:s17] =	stream.linear.scatter [tilespmem:s20], [sflag:$0x3], $0x1000, $0x38;
	[tilespmem:$0x1FDC0] =	vst v63  }
0x3c: {  	_ =	swait.ge [sflag:s21], $0x1000  }
0x3d: {  	[sflag:s21] =	ssyncset.done $0x0  }
0x3e: {  	[sflag:s21] =	ssyncadd.s32 $0xFFFFF000  }
0x3f: {  	[spmem:s18] =	stream.linear.scatter [tilespmem:s20], [sflag:$0x3], $0x1000, $0x38;
	[tilespmem:$0x1FDC0] =	vst v63  }
0x40: {  	_ =	swait.ge [sflag:s21], $0x1000  }
0x41: {  	[sflag:s21] =	ssyncset.done $0x0  }
0x42: {  	[sflag:s21] =	ssyncadd.s32 $0xFFFFF000  }
0x43: {  	[spmem:s19] =	stream.linear.scatter [tilespmem:s20], [sflag:$0x3], $0x1000, $0x38;
	[tilespmem:$0x1FDC0] =	vst v63  }
0x44: {  	s0 =	stileid.u32;
	_ =	swait.ge [sflag:s21], $0x1000  }
0x45: {  	s0 =	sshll.u32 s0, $0x6;
	[sflag:s21] =	ssyncset.done $0x0  }
0x46: {  	s1 =	sor.u32 $0x1C03, s0;
	[sflag:s21] =	ssyncadd.s32 $0xFFFFF000  }
0x47: {  	[spmem:s22], [sflag:s1] =	dma.local [hbm:s6], $0x1400  }
0x48: {  	_ =	swait.ge [sflag:s21], $0x1400  }
0x49: {  	[sflag:s21] =	ssyncset.done $0x0  }
0x4a: {  	[sflag:s21] =	ssyncadd.s32 $0xFFFFEC00  }
0x4b: {  	s0 =	simm.s32 $0x0;
	[bflag:$0x0] =	sbarrier.arrive $0xFFFF  }
0x4c: {  	[tilespmem:s0], [sflag:$0x3] =	stream.linear.gather [hbm4b:s7+s0], $0x2800, $0x38;
	[tilespmem:$0x1FDC0] =	vst v63  }
0x4d: {  	_ =	swait.ge [sflag:s21], $0x2800  }
0x4e: {  	[sflag:s21] =	ssyncset.done $0x0  }
0x4f: {  	s24 =	simm.s32 $0x2800;
	[sflag:s21] =	ssyncadd.s32 $0xFFFFD800  }
0x50: {  	[tilespmem:s24], [sflag:$0x3] =	stream.linear.gather [hbm4b:s8+s0], $0x2800, $0x38;
	[tilespmem:$0x1FDC0] =	vst v63  }
0x51: {  	_ =	swait.ge [sflag:s21], $0x2800  }
0x52: {  	[sflag:s21] =	ssyncset.done $0x0  }
0x53: {  	s4 =	simm.s32 $0x5000;
	[sflag:s21] =	ssyncadd.s32 $0xFFFFD800  }
0x54: {  	[tilespmem:s4], [sflag:$0x1] =	stream.indirect.gather [spmem:s3], $0x40, s0, s23, $0xb8;
	[tilespmem:$0x1FDC0] =	vst v63  }
0x55: {  	s28 =	simm.s32 $0x80;
	s26 =	simm.s32 $0x6F40  }
0x56: {  	[tilespmem:s26], [sflag:$0x1] =	stream.indirect.gather [spmem:s3], $0x40, s28, s23, $0xb8;
	[tilespmem:$0x1FDC0] =	vst v63  }
0x57: {  	s26 =	simm.s32 $0x100  }
.LBB2_4:
0x58: {  	p0 =	seq.s32 s0, $0x0  }
0x59: {  	s28 =	simm.s32 @!p0 $0x2  }
0x5a: {  	p1 =	sgt.u32 @!p0 s0, $0x4D;
	_ =	swait.ge @!p0 [sflag:s28], $0x1F40  }
0x5b: {  	p1 =	por p0, !p1;
	[sflag:s28] =	ssyncset.done @!p0 $0x0  }
0x5c: {  	[sflag:s28] =	ssyncadd.s32 @!p0 $0xFFFFE0C0;
	s28 =	sadd.s32 @p1 $0x2, s0  }
0x5d: {  	s4 =	smul.u32 @p1 $0xAB, s28;
	_ =	sdelay $0x1  }
0x5e: {  	s4 =	sshrl.u32 @p1 s4, $0x9  }
0x5f: {  	s4 =	sand.u32 @p1 $0x7F, s4  }
0x60: {  	s4 =	smul.u32 @p1 $0x3, s4;
	_ =	sdelay $0x1  }
0x61: {  	s4 =	ssub.s32 @p1 s28, s4  }
0x62: {  	s4 =	sand.u32 @p1 $0xFF, s4  }
0x63: {  	s4 =	smul.u32 @p1 $0x7D00, s4;
	_ =	sdelay $0x1  }
0x64: {  	s4 =	sshrl.u32 @p1 s4, $0x2  }
0x65: {  	s28 =	smul.u32 $0xAB, s0;
	s4 =	sadd.s32 @p1 $0x5000, s4  }
0x66: {  	[tilespmem:s4], [sflag:$0x1] =	stream.indirect.gather @p1 [spmem:s3], $0x40, s26, s23, $0xb8;
	[tilespmem:$0x1FDC0] =	vst v63  }
0x67: {  	s4 =	sshrl.u32 s28, $0x9  }
0x68: {  	s4 =	sand.u32 $0x7F, s4  }
0x69: {  	s4 =	smul.u32 $0x3, s4;
	_ =	sdelay $0x1  }
0x6a: {  	s4 =	ssub.s32 s0, s4  }
0x6b: {  	s0 =	sadd.s32 $0x1, s0;
	s4 =	sand.u32 $0xFF, s4  }
0x6c: {  	p0 =	sne.s32 s0, $0x50;
	s4 =	smul.u32 $0x7D00, s4  }
.Ltmp1:
0x6d: {  	_ =	swait.ge [sflag:s29], $0x1F40;
	(pc) =	sbr.rel @p0 .LBB2_4-.Ltmp1, $4  }
0x6e: {  	[sflag:s29] =	ssyncset.done $0x0;
	s4 =	sshrl.u32 s4, $0x2  }
0x6f: {  	[sflag:s29] =	ssyncadd.s32 $0xFFFFE0C0;
	s4 =	sadd.s32 $0x5000, s4  }
0x70: {  	[spmem:s2] =	stream.indirect.scatter.add.f32 [tilespmem:s4], [sflag:$0x2], $0x40, s24, s23, $0xb8;
	[tilespmem:$0x1FDC0] =	vst v63  }
0x71: {  	s26 =	sadd.s32 $0x80, s26;
	s24 =	sadd.s32 $0x80, s24  }
0x72: {  	_ =	swait.ge [sflag:s30], $0x1F40  }
0x73: {  	s31 =	sadd.s32 $0x1, s31;
	[sflag:s30] =	ssyncset.done $0x0  }
0x74: {  	p0 =	sne.s32 s31, s10;
	[sflag:s30] =	ssyncadd.s32 $0xFFFFE0C0  }
.Ltmp2:
0x75: {  	[bflag:$0x0] =	sbarrier.arrive $0xFFFF;
	(pc) =	sbr.rel @p0 .LBB2_1-.Ltmp2, $4  }
0x76: {  	[hbm:s9], [sflag:s1] =	dma.local [spmem:s25], $0x1400  }
0x77: {  	_ =	swait.ge [sflag:s21], $0x1400  }
0x78: {  	[sflag:s21] =	ssyncset.done $0x0  }
0x79: {  	[sflag:s21] =	ssyncadd.s32 $0xFFFFEC00  }
0x7a: {  	_ =	sfence.sel $0x180000  }
0x7b: {  	[bflag:$0x0] =	sbarrier.arrive $0xFFFF  }
0x7c: {  	_ =	strace $0x9000004A  }
0x7d: {  	s0 =	stileid.u32;
	[bflag:$0x2] =	sbarrier.arrive $0xFFFF  }
0x7e: {  	p0 =	sne.s32 s0, $0x0;
	s0 =	rddreg [dreg:$0x3]  }
0x7f: {  	s0 =	sadd.s32 @!p0 $0x100000, s0  }
0x80: {  	[sflag:s0] =	ssyncadd.tile.s32 @!p0 $0x1;
	_ =	shalt  }
.Lfunc_end2:
_tile_overlayer_lowered:
.L_overlay_start_2:
0x81: {  	(tag) =	ssettag $0x2  }
0x82: {  	s0 =	rddreg [dreg:$0x0];
	s2 =	stileid.u32  }
0x83: {  	s1 =	rddreg [dreg:$0x1];
	p0 =	sne.s32 s2, $0x0  }
0x84: {  	s3 =	rddreg [dreg:$0x2];
	[bflag:$0x3] =	sbarrier.arrive $0xFFFF;
	s2 =	simm.s32 @!p0 $0x1C03  }
0x85: {  	[timem:s3], [sflag:s2] =	dma.local @!p0 [hbm:s0], s1  }
0x86: {  	s0 =	simm.s32 @!p0 $0x3  }
0x87: {  	_ =	swait.ge @!p0 [sflag:s0], s1  }
0x88: {  	s1 =	ssub.s32 @!p0 $0x0, s1;
	[sflag:s0] =	ssyncset.done @!p0 $0x0  }
0x89: {  	[sflag:s0] =	ssyncadd.s32 @!p0 s1  }
0x8a: {  	[bflag:$0x3] =	sbarrier.arrive $0xFFFF  }
0x8b: {  	_ =	shalt  }

// kernel: kernel.14.cloned.1.call-start
scs
__scs_entry_jumppad:
0x0: {  	(pc) =	sbr.rel $0x88, $3  }
0x1: {  	(tag) =	ssettag $0x0;
	lr =	simm.s32 $0x1  }
0x2: {  	[smem:$0x3F99] =	sst lr;
	_ =	strace $0xD0000000  }
0x3: {  	_ = 	snop  }
0x4: {  	_ = 	snop  }
0x5: {  	_ = 	snop  }
0x6: {  	_ = 	snop  }
0x7: {  	_ = 	snop  }
__scs_overlays_trampoline_lowered:
0x8: {  	[smem:$0x3FA8] =	sst s0  }
0x9: {  	[smem:$0x3FA9] =	sst s1  }
0xa: {  	[smem:$0x3FAA] =	sst s2  }
0xb: {  	[smem:$0x3FAB] =	sst s3  }
0xc: {  	[smem:$0x3FAC] =	sst s4  }
0xd: {  	[smem:$0x3FAD] =	sst s5  }
0xe: {  	[smem:$0x3FAE] =	sst s6  }
0xf: {  	[smem:$0x3FAF] =	sst s7  }
0x10: {  	[smem:$0x3FB0] =	sst s8  }
0x11: {  	[smem:$0x3FB1] =	sst s9;
	s0 =	simm.s32 @!p0 $0x0  }
0x12: {  	s1 =	sld [smem:$0x3F97];
	s0 =	simm.s32 @p0 $0x1  }
0x13: {  	[smem:$0x3FB2] =	sst s0;
	s0 =	simm.s32 @!p1 $0x0  }
0x14: {  	s2 =	sld [smem:$0x3F96];
	s0 =	simm.s32 @p1 $0x1  }
0x15: {  	[smem:$0x3FB3] =	sst s0;
	s0 =	simm.s32 @!p2 $0x0  }
0x16: {  	s3 =	sld [smem:$0x3FDB];
	s0 =	simm.s32 @p2 $0x1  }
0x17: {  	s4 =	simm.s32 $0x1BF5;
	[smem:$0x3FB5] =	sst s0  }
0x18: {  	s0 =	sld [smem:$0x3F98];
	_ =	swait.ge [sflag:s4], $0x0  }
0x19: {  	s7 =	sld [smem:$0x3F99]  }
0x1a: {  	s8 =	sadd.s32 $0xFFFFE003, lr  }
0x1b: {  	s9 =	sadd.s32 $0xFFFFFEF7, lr;
	s5 =	simm.s32 $0xFFFFFFFF;
	p2 =	slt.u32 s8, $0xFFFFF086  }
0x1c: {  	p1 =	slt.u32 s9, $0xF7A;
	s5 =	simm.s32 @!p2 $0x0  }
0x1d: {  	s5 =	simm.s32 @p1 $0x1;
	p0 =	seq.s32 s7, s2  }
0x1e: {  	s7 =	smul.u32 @!p0 $0xF7A, s2;
	p2 =	seq.s32 @!p0 s5, $0x0  }
0x1f: {  	s9 =	smul.u32 $0xF7A, s1;
	s8 =	simm.s32 @!p0 $0x1BF5;
	p2 =	por !p2, p0  }
0x20: {  	[sflag:s8] =	ssyncset.s32 @!p0 $0xFFFFF086;
	s6 =	sadd.s32 @!p0 s3, s7;
	s7 =	simm.s32 @!p0 $0x108  }
0x21: {  	s3 =	sadd.s32 s3, s9;
	s6 =	sadd.s32 @!p0 $0x88, s6;
	s7 =	simm.s32 @p2 $0x1082  }
0x22: {  	[simem:s7], [sflag:s8] =	dma.local @!p0 [hbm:s6], $0xF7A  }
0x23: {  	s9 =	sor.u32 $0xD0000000, s2;
	s6 =	simm.s32 $0x108;
	_ =	swait.ge @!p0 [sflag:s8], $0x0  }
0x24: {  	s3 =	sadd.s32 $0x88, s3;
	s6 =	simm.s32 @!p1 $0x1082;
	[sflag:s4] =	ssyncset.s32 $0xFFFFF086  }
0x25: {  	[simem:s6], [sflag:s4] =	dma.local [hbm:s3], $0xF7A  }
0x26: {  	[smem:$0x3F99] =	sst s1;
	(tag) =	ssettag s2;
	_ =	strace s9  }
0x27: {  	s1 =	sld [smem:$0x3FA9]  }
0x28: {  	s2 =	sld [smem:$0x3FAA]  }
0x29: {  	s4 =	sld [smem:$0x3FAC]  }
0x2a: {  	p0 =	seq.s32 s5, $0x0;
	s5 =	sld [smem:$0x3FAD]  }
0x2b: {  	s6 =	sld [smem:$0x3FAE]  }
0x2c: {  	s7 =	sld [smem:$0x3FAF]  }
0x2d: {  	s3 =	simm.s32 $0x108;
	s8 =	sld [smem:$0x3FB0]  }
0x2e: {  	s3 =	simm.s32 @!p0 $0x1082;
	s9 =	sld [smem:$0x3FB1]  }
0x2f: {  	lr =	sadd.s32 s0, s3;
	s0 =	sld [smem:$0x3FA8]  }
0x30: {  	s3 =	sld [smem:$0x3FAB]  }
0x31: {  	[smem:$0x3FB4] =	sst s10  }
0x32: {  	s10 =	sld [smem:$0x3FB2];
	_ =	sdelay $0x3  }
0x33: {  	p0 =	seq.s32 s10, $0x1;
	s10 =	sld [smem:$0x3FB4];
	_ =	sdelay $0x3  }
0x34: {  	[smem:$0x3FB4] =	sst s10  }
0x35: {  	s10 =	sld [smem:$0x3FB3];
	_ =	sdelay $0x3  }
0x36: {  	p1 =	seq.s32 s10, $0x1;
	s10 =	sld [smem:$0x3FB4];
	_ =	sdelay $0x3  }
0x37: {  	[smem:$0x3FB4] =	sst s10  }
0x38: {  	s10 =	sld [smem:$0x3FB5]  }
0x39: {  	_ = 	snop;
	(pc) =	sbr.ind lr, $3  }
0x3a: {  	_ = 	snop  }
0x3b: {  	_ = 	snop  }
0x3c: {  	p2 =	seq.s32 s10, $0x1;
	s10 =	sld [smem:$0x3FB4]  }
0x3d: {  	_ =	shalt  }
0x3e: {  	_ =	shalt  }
0x3f: {  	_ =	shalt  }
0x40: {  	_ =	shalt  }
0x41: {  	_ =	shalt  }
0x42: {  	_ =	shalt  }
0x43: {  	_ =	shalt  }
0x44: {  	_ =	shalt  }
0x45: {  	_ =	shalt  }
0x46: {  	_ =	shalt  }
0x47: {  	_ =	shalt  }
0x48: {  	_ =	shalt  }
0x49: {  	_ =	shalt  }
0x4a: {  	_ =	shalt  }
0x4b: {  	_ =	shalt  }
0x4c: {  	_ =	shalt  }
0x4d: {  	_ =	shalt  }
0x4e: {  	_ =	shalt  }
0x4f: {  	_ =	shalt  }
0x50: {  	_ =	shalt  }
0x51: {  	_ =	shalt  }
0x52: {  	_ =	shalt  }
0x53: {  	_ =	shalt  }
0x54: {  	_ =	shalt  }
0x55: {  	_ =	shalt  }
0x56: {  	_ =	shalt  }
0x57: {  	_ =	shalt  }
0x58: {  	_ =	shalt  }
0x59: {  	_ =	shalt  }
0x5a: {  	_ =	shalt  }
0x5b: {  	_ =	shalt  }
0x5c: {  	_ =	shalt  }
0x5d: {  	_ =	shalt  }
0x5e: {  	_ =	shalt  }
0x5f: {  	_ =	shalt  }
0x60: {  	_ =	shalt  }
0x61: {  	_ =	shalt  }
0x62: {  	_ =	shalt  }
0x63: {  	_ =	shalt  }
0x64: {  	_ =	shalt  }
0x65: {  	_ =	shalt  }
0x66: {  	_ =	shalt  }
0x67: {  	_ =	shalt  }
0x68: {  	_ =	shalt  }
0x69: {  	_ =	shalt  }
0x6a: {  	_ =	shalt  }
0x6b: {  	_ =	shalt  }
0x6c: {  	_ =	shalt  }
0x6d: {  	_ =	shalt  }
0x6e: {  	_ =	shalt  }
0x6f: {  	_ =	shalt  }
0x70: {  	_ =	shalt  }
0x71: {  	_ =	shalt  }
0x72: {  	_ =	shalt  }
0x73: {  	_ =	shalt  }
0x74: {  	_ =	shalt  }
0x75: {  	_ =	shalt  }
0x76: {  	_ =	shalt  }
0x77: {  	_ =	shalt  }
0x78: {  	_ =	shalt  }
0x79: {  	_ =	shalt  }
0x7a: {  	_ =	shalt  }
0x7b: {  	_ =	shalt  }
0x7c: {  	_ =	shalt  }
0x7d: {  	_ =	shalt  }
0x7e: {  	_ =	shalt  }
0x7f: {  	_ =	shalt  }
0x80: {  	_ =	shalt  }
0x81: {  	_ =	shalt  }
0x82: {  	_ =	shalt  }
0x83: {  	_ =	shalt  }
0x84: {  	_ =	shalt  }
0x85: {  	_ =	shalt  }
0x86: {  	_ =	shalt  }
0x87: {  	_ =	shalt  }
.Lfunc_end0:
.L_simem_size_0:
called_computation.2_lowered:
.L_overlay_start_0:
0x88: {  	s2 =	sld [smem:$0x3FD9]  }
0x89: {  	s3 =	sld [smem:$0x3FFE];
	_ =	sdelay $0x1  }
0x8a: {  	s1 =	srdreg.scid  }
0x8b: {  	s0 =	sand.u32 $0x1, s1  }
0x8c: {  	s17 =	sshll.u32 s0, $0xA;
	s2 =	sadd.s32 s3, s2  }
0x8d: {  	s2 =	sadd.s32 s2, s17  }
0x8e: {  	[smem:$0x3FC0] =	sst s2  }
0x8f: {  	_ = 	snop  }
0x90: {  	s2 =	sld [smem:$0x3FD0];
	(tm) =	ssettm $0x1  }
0x91: {  	s18 =	sld [smem:$0x3FFB];
	_ =	sdelay $0x3  }
0x92: {  	_ =	strace s18  }
0x93: {  	s3 =	sld [smem:$0x3FFC];
	_ =	sdelay $0x3  }
0x94: {  	_ =	strace s3  }
0x95: {  	s3 =	sld [smem:$0x3FFD];
	_ =	sdelay $0x3  }
0x96: {  	_ =	strace s3  }
0x97: {  	_ =	strace $0x8FFFFFFF  }
0x98: {  	s19 =	sld [smem:$0x3FDB];
	_ =	sdelay $0x1  }
0x99: {  	s4 =	simm.s32 $_scs_section_size  }
0x9a: {  	s5 =	simm.s32 $_size__tile_overlayer_lowered;
	s6 =	simm.s32 $_tile_overlayer_lowered  }
0x9b: {  	s22 =	simm.s32 $0x1BFF;
	s21 =	sshll.u32 s6, $0x1;
	s3 =	sadd.s32 s4, s19  }
0x9c: {  	s7 =	simm.s32 $0x0;
	s20 =	sshll.u32 s5, $0x1;
	s5 =	sadd.s32 s21, s3  }
0x9d: {  	[timem:s7], [sflag:s22] =	dma.local [hbm:s5], s20  }
0x9e: {  	_ =	swait.ge [sflag:s22], s20  }
0x9f: {  	s4 =	ssub.s32 $0x0, s20;
	[sflag:s22] =	ssyncset.done $0x0  }
0xa0: {  	[sflag:s22] =	ssyncadd.s32 s4;
	_ =	sdelay $0x1  }
0xa1: {  	s23 =	simm.s32 $0x1B8B  }
0xa2: {  	_ =	swait.ge [sflag:s23], $0x1  }
0xa3: {  	[sflag:s23] =	ssyncset.done $0x0  }
0xa4: {  	s25 =	simm.s32 $0x1B8E;
	s24 =	sld [smem:$0x3FFE];
	[sflag:s23] =	ssyncadd.s32 $0xFFFFFFFF  }
0xa5: {  	s26 =	simm.s32 $execute0_lowered;
	[smem:$0x3FD2] =	sst s25  }
0xa6: {  	s5 =	sshll.u32 s26, $0x1;
	_ =	strace $0x8000004C;
	[dreg:$0x1] =	wrdreg $0xFFFFFFFF  }
0xa7: {  	s28 =	simm.s32 $_size_execute0_lowered;
	s3 =	sadd.s32 s3, s5;
	[dreg:$0x0] =	wrdreg $0x0  }
0xa8: {  	s5 =	sshll.u32 s28, $0x1;
	[dreg:$0x2] =	wrdreg s3  }
0xa9: {  	[dreg:$0x3] =	wrdreg s5  }
0xaa: {  	[dreg:$0x4] =	wrdreg $0xC0  }
0xab: {  	_ =	task [dreg:s7], $0x5FFFF  }
0xac: {  	[dreg:$0x1] =	wrdreg $0xFFFFFFFF  }
0xad: {  	[dreg:$0x0] =	wrdreg $0x60  }
0xae: {  	[dreg:$0x2] =	wrdreg s2  }
0xaf: {  	[dreg:$0x3] =	wrdreg s24  }
0xb0: {  	[dreg:$0x4] =	wrdreg $0xD5000  }
0xb1: {  	[dreg:$0x5] =	wrdreg $0x125000  }
0xb2: {  	[dreg:$0x6] =	wrdreg $0x9  }
0xb3: {  	_ =	task.clear_ibuf [dreg:s7], $0x7FFFF;
	_ =	strace $0x9000004C  }
0xb4: {  	s29 =	simm.s32 $0x9;
	_ =	strace $0x8000004E  }
0xb5: {  	_ =	swait.ge [sflag:s29], $0x1  }
0xb6: {  	[sflag:s29] =	ssyncadd.s32 $0xFFFFFFFF  }
0xb7: {  	_ =	strace $0x9000004E  }
0xb8: {  	_ =	sfence  }
0xb9: {  	s30 =	sld [smem:$0x0];
	_ =	sdelay $0x2  }
0xba: {  	s31 =	sshll.u32 s1, $0xD;
	s1 =	sshrl.u32 s1, $0x2  }
0xbb: {  	s3 =	sand.u32 $0x4000, s31;
	s1 =	sadd.s32 s1, s30  }
0xbc: {  	s0 =	sor.u32 s3, s0;
	s1 =	sshll.u32 s1, $0x11  }
0xbd: {  	s0 =	sor.u32 s1, s0  }
0xbe: {  	s0 =	sadd.s32 $0x8F2B, s0  }
0xbf: {  	[sflag:s0] =	ssyncadd.remote.s32 $0x1  }
0xc0: {  	_ =	sfence.sel $0xFFFF  }
0xc1: {  	[dreg:$0x0] =	wrdreg $0xFFFFFFFF;
	(pc) =	sbr.abs _section_cstart, $3  }
0xc2: {  	[dreg:$0x1] =	wrdreg $0xFFFFFFFF  }
0xc3: {  	_ =	task.clear_ibuf [dreg:s7], $0x2FFFF;
	_ =	strace $0x9FFFFFFF  }
0xc4: {  	(tm) =	ssettm $0x7FFFFFFF  }
0xc5: {  	_ =	shalt  }
tec
execute0_lowered:
.L_overlay_start_1:
0x0: {  	(tag) =	ssettag $0x1  }
0x1: {  	s0 =	rddreg [dreg:$0x0]  }
0x2: {  	s1 =	rddreg [dreg:$0x1]  }
0x3: {  	s2 =	rddreg [dreg:$0x2]  }
0x4: {  	s3 =	rddreg [dreg:$0x3];
	s4 =	srdreg.scid  }
0x5: {  	s9 =	stileid.u32;
	s20 =	simm.s32 $0xCD00;
	s29 =	simm.s32 $0x5FA0  }
0x6: {  	s31 =	simm.s32 $0x6F40;
	s30 =	simm.s32 $0x2;
	s28 =	simm.s32 $0x0  }
0x7: {  	s5 =	sand.u32 $0x1, s4;
	s4 =	simm.s32 $0x0;
	s7 =	smul.u32 $0x5000, s9  }
0x8: {  	s6 =	sshll.u32 s5, $0x4;
	[smem:$0x7FF] =	sst s4;
	s8 =	smul.u32 $0x50000, s5  }
0x9: {  	s5 =	ssub.s32 $0x2, s5;
	s6 =	sor.u32 s9, s6;
	_ =	strace $0x8000004D  }
0xa: {  	s9 =	smul.u32 $0x14000, s9;
	s10 =	sshrl.u32 s5, $0x1;
	s11 =	sshrl.u32 s7, $0x3  }
0xb: {  	s15 =	sadd.s32 s7, s2;
	s6 =	smul.u32 $0x500, s6;
	s8 =	sadd.s32 s7, s8  }
0xc: {  	s26 =	ssub.s32 s5, s10;
	s0 =	sadd.s32 s0, s11;
	s8 =	sshrl.u32 s8, $0x3  }
0xd: {  	s10 =	sshrl.u32 s9, $0x2;
	s9 =	sadd.s32 s7, s3;
	[dreg:$0x5] =	wrdreg s0  }
0xe: {  	s21 =	smax.u32 s26, $0x1;
	s0 =	simm.s32 $0x1;
	s6 =	sadd.s32 s6, s1  }
0xf: {  	s1 =	sadd.s32 s8, s1;
	[dreg:$0x9] =	wrdreg s21;
	s12 =	sadd.s32 $0xC800, s6  }
0x10: {  	s5 =	sadd.s32 s10, s2;
	s13 =	sadd.s32 $0x2800, s6;
	[dreg:$0x6] =	wrdreg s12  }
0x11: {  	s21 =	simm.s32 $0x3;
	s14 =	sadd.s32 $0x16800, s1;
	[dreg:$0x7] =	wrdreg s13  }
0x12: {  	s22 =	sadd.s32 $0x800, s5;
	s23 =	sadd.s32 $0x1000, s5;
	[dreg:$0x8] =	wrdreg s14  }
0x13: {  	s24 =	sadd.s32 $0x1800, s5;
	s25 =	sadd.s32 $0x2000, s5;
	[dreg:$0xa] =	wrdreg s22  }
0x14: {  	s26 =	sadd.s32 $0x2800, s5;
	s16 =	sadd.s32 $0x3000, s5;
	[dreg:$0xb] =	wrdreg s23  }
0x15: {  	s17 =	sadd.s32 $0x3800, s5;
	s18 =	sadd.s32 $0x4000, s5;
	[dreg:$0xc] =	wrdreg s24  }
0x16: {  	s19 =	sadd.s32 $0x4800, s5;
	s1 =	simm.s32 $0x7EE0;
	[dreg:$0xd] =	wrdreg s25  }
0x17: {  	[dreg:$0xe] =	wrdreg s26;
	s22 =	sshrl.u32 s9, $0x3;
	s23 =	simm.s32 $0x2800  }
0x18: {  	v0 =	vimm.f32 $0.0e+00;
	s24 =	simm.s32 $0x7D;
	s25 =	sshrl.u32 s15, $0x3;
	s26 =	simm.s32 $0x5000  }
.LBB2_1:
0x19: {  	s6 =	sand.u32 $0x1F80, s4  }
0x1a: {  	s7 =	sand.u32 $0x10, s4;
	s8 =	sshrl.u32 s6, $0x2  }
0x1b: {  	s6 =	simm.s32 $0x40;
	s8 =	sor.u32 s7, s8;
	s7 =	simm.s32 $0x0  }
.LBB2_2:
0x1c: {  	p0 =	sne.s32 s6, $0x1FC0  }
0x1d: {  	[tilespmem:s8+$0xCD00] =	vst v0;
	s7 =	sadd.s32 $0x10, s7;
	s8 =	smov.u32 s6;
	s6 =	sadd.s32 $0x40, s6  }
.Ltmp0:
0x1e: {  	(pc) =	sbr.rel @p0 .LBB2_2-.Ltmp0, $4  }
0x1f: {  	_ = 	snop  }
0x20: {  	s8 =	sand.u32 $0x1F80, s8  }
0x21: {  	s9 =	sand.u32 $0x10, s7;
	s8 =	sshrl.u32 s8, $0x2  }
0x22: {  	s8 =	sor.u32 s9, s8  }
0x23: {  	[tilespmem:s8+$0xCD00] =	vst v0  }
0x24: {  	[spmem:s5] =	stream.linear.scatter [tilespmem:s20], [sflag:$0x3], $0x800, $0x38;
	[tilespmem:$0x17500] =	vst v63  }
0x25: {  	_ =	swait.ge [sflag:s21], $0x800  }
0x26: {  	[sflag:s21] =	ssyncset.done $0x0  }
0x27: {  	s6 =	rddreg [dreg:$0xa];
	[sflag:s21] =	ssyncadd.s32 $0xFFFFF800  }
0x28: {  	[spmem:s6] =	stream.linear.scatter [tilespmem:s20], [sflag:$0x3], $0x800, $0x38;
	[tilespmem:$0x17500] =	vst v63  }
0x29: {  	_ =	swait.ge [sflag:s21], $0x800  }
0x2a: {  	[sflag:s21] =	ssyncset.done $0x0  }
0x2b: {  	s10 =	rddreg [dreg:$0xb];
	[sflag:s21] =	ssyncadd.s32 $0xFFFFF800  }
0x2c: {  	[spmem:s10] =	stream.linear.scatter [tilespmem:s20], [sflag:$0x3], $0x800, $0x38;
	[tilespmem:$0x17500] =	vst v63  }
0x2d: {  	_ =	swait.ge [sflag:s21], $0x800  }
0x2e: {  	[sflag:s21] =	ssyncset.done $0x0  }
0x2f: {  	s11 =	rddreg [dreg:$0xc];
	[sflag:s21] =	ssyncadd.s32 $0xFFFFF800  }
0x30: {  	[spmem:s11] =	stream.linear.scatter [tilespmem:s20], [sflag:$0x3], $0x800, $0x38;
	[tilespmem:$0x17500] =	vst v63  }
0x31: {  	_ =	swait.ge [sflag:s21], $0x800  }
0x32: {  	[sflag:s21] =	ssyncset.done $0x0  }
0x33: {  	s12 =	rddreg [dreg:$0xd];
	[sflag:s21] =	ssyncadd.s32 $0xFFFFF800  }
0x34: {  	[spmem:s12] =	stream.linear.scatter [tilespmem:s20], [sflag:$0x3], $0x800, $0x38;
	[tilespmem:$0x17500] =	vst v63  }
0x35: {  	_ =	swait.ge [sflag:s21], $0x800  }
0x36: {  	[sflag:s21] =	ssyncset.done $0x0  }
0x37: {  	s13 =	rddreg [dreg:$0xe];
	[sflag:s21] =	ssyncadd.s32 $0xFFFFF800  }
0x38: {  	[spmem:s13] =	stream.linear.scatter [tilespmem:s20], [sflag:$0x3], $0x800, $0x38;
	[tilespmem:$0x17500] =	vst v63  }
0x39: {  	_ =	swait.ge [sflag:s21], $0x800  }
0x3a: {  	[sflag:s21] =	ssyncset.done $0x0  }
0x3b: {  	[sflag:s21] =	ssyncadd.s32 $0xFFFFF800  }
0x3c: {  	[spmem:s16] =	stream.linear.scatter [tilespmem:s20], [sflag:$0x3], $0x800, $0x38;
	[tilespmem:$0x17500] =	vst v63  }
0x3d: {  	_ =	swait.ge [sflag:s21], $0x800  }
0x3e: {  	[sflag:s21] =	ssyncset.done $0x0  }
0x3f: {  	[sflag:s21] =	ssyncadd.s32 $0xFFFFF800  }
0x40: {  	[spmem:s17] =	stream.linear.scatter [tilespmem:s20], [sflag:$0x3], $0x800, $0x38;
	[tilespmem:$0x17500] =	vst v63  }
0x41: {  	_ =	swait.ge [sflag:s21], $0x800  }
0x42: {  	[sflag:s21] =	ssyncset.done $0x0  }
0x43: {  	[sflag:s21] =	ssyncadd.s32 $0xFFFFF800  }
0x44: {  	[spmem:s18] =	stream.linear.scatter [tilespmem:s20], [sflag:$0x3], $0x800, $0x38;
	[tilespmem:$0x17500] =	vst v63  }
0x45: {  	_ =	swait.ge [sflag:s21], $0x800  }
0x46: {  	[sflag:s21] =	ssyncset.done $0x0  }
0x47: {  	[sflag:s21] =	ssyncadd.s32 $0xFFFFF800  }
0x48: {  	[spmem:s19] =	stream.linear.scatter [tilespmem:s20], [sflag:$0x3], $0x800, $0x38;
	[tilespmem:$0x17500] =	vst v63  }
0x49: {  	s14 =	stileid.u32;
	_ =	swait.ge [sflag:s21], $0x800  }
0x4a: {  	s6 =	sshll.u32 s14, $0x6;
	[sflag:s21] =	ssyncset.done $0x0  }
0x4b: {  	s6 =	sor.u32 $0x1C03, s6;
	s7 =	rddreg [dreg:$0x5];
	[sflag:s21] =	ssyncadd.s32 $0xFFFFF800  }
0x4c: {  	[spmem:s22], [sflag:s6] =	dma.local [hbm:s7], $0xA00  }
0x4d: {  	_ =	swait.ge [sflag:s21], $0xA00  }
0x4e: {  	[sflag:s21] =	ssyncset.done $0x0  }
0x4f: {  	[sflag:s21] =	ssyncadd.s32 $0xFFFFF600  }
0x50: {  	[bflag:$0x0] =	sbarrier.arrive $0xFFFF  }
0x51: {  	s15 =	rddreg [dreg:$0x6]  }
0x52: {  	[tilespmem:s4], [sflag:$0x3] =	stream.linear.gather [hbm4b:s15+s4], $0x2800, $0x38;
	[tilespmem:$0x17500] =	vst v63  }
0x53: {  	_ =	swait.ge [sflag:s21], $0x2800  }
0x54: {  	[sflag:s21] =	ssyncset.done $0x0  }
0x55: {  	s8 =	rddreg [dreg:$0x7];
	[sflag:s21] =	ssyncadd.s32 $0xFFFFD800  }
0x56: {  	[tilespmem:s23], [sflag:$0x3] =	stream.linear.gather [hbm4b:s8+s4], $0x2800, $0x38;
	[tilespmem:$0x17500] =	vst v63  }
0x57: {  	_ =	swait.ge [sflag:s21], $0x2800  }
0x58: {  	[sflag:s21] =	ssyncset.done $0x0  }
0x59: {  	[sflag:s21] =	ssyncadd.s32 $0xFFFFD800  }
0x5a: {  	[tilespmem:s26], [sflag:$0x1] =	stream.indirect.gather [spmem:s3], $0x20, s4, s24, $0xb8;
	[tilespmem:$0x17500] =	vst v63  }
0x5b: {  	s9 =	simm.s32 $0x80  }
0x5c: {  	[tilespmem:s29], [sflag:$0x1] =	stream.indirect.gather [spmem:s3], $0x20, s9, s24, $0xb8;
	[tilespmem:$0x17500] =	vst v63  }
0x5d: {  	s10 =	simm.s32 $0x100  }
0x5e: {  	[tilespmem:s31], [sflag:$0x1] =	stream.indirect.gather [spmem:s3], $0x20, s10, s24, $0xb8;
	[tilespmem:$0x17500] =	vst v63  }
0x5f: {  	s11 =	simm.s32 $0x180  }
0x60: {  	[tilespmem:s1], [sflag:$0x1] =	stream.indirect.gather [spmem:s3], $0x20, s11, s24, $0xb8;
	[tilespmem:$0x17500] =	vst v63  }
0x61: {  	s12 =	simm.s32 $0x200;
	s13 =	simm.s32 $0x8E80  }
0x62: {  	[tilespmem:s13], [sflag:$0x1] =	stream.indirect.gather [spmem:s3], $0x20, s12, s24, $0xb8;
	[tilespmem:$0x17500] =	vst v63  }
0x63: {  	_ =	swait.ge [sflag:s0], $0xFA0  }
0x64: {  	[sflag:s0] =	ssyncset.done $0x0  }
0x65: {  	[sflag:s0] =	ssyncadd.s32 $0xFFFFF060  }
0x66: {  	[spmem:s2] =	stream.indirect.scatter.add.f32 [tilespmem:s26], [sflag:$0x2], $0x20, s23, s24, $0xb8;
	[tilespmem:$0x17500] =	vst v63  }
0x67: {  	s14 =	simm.s32 $0x280;
	s15 =	simm.s32 $0x9E20  }
0x68: {  	[tilespmem:s15], [sflag:$0x1] =	stream.indirect.gather [spmem:s3], $0x20, s14, s24, $0xb8;
	[tilespmem:$0x17500] =	vst v63  }
0x69: {  	_ =	swait.ge [sflag:s0], $0xFA0  }
0x6a: {  	[sflag:s0] =	ssyncset.done $0x0  }
0x6b: {  	s9 =	simm.s32 $0x2880;
	[sflag:s0] =	ssyncadd.s32 $0xFFFFF060  }
0x6c: {  	[spmem:s2] =	stream.indirect.scatter.add.f32 [tilespmem:s29], [sflag:$0x2], $0x20, s9, s24, $0xb8;
	[tilespmem:$0x17500] =	vst v63  }
0x6d: {  	s10 =	simm.s32 $0x300;
	s11 =	simm.s32 $0xADC0  }
0x6e: {  	[tilespmem:s11], [sflag:$0x1] =	stream.indirect.gather [spmem:s3], $0x20, s10, s24, $0xb8;
	[tilespmem:$0x17500] =	vst v63  }
0x6f: {  	_ =	swait.ge [sflag:s0], $0xFA0  }
0x70: {  	p0 =	por $0x0, $0x0;
	s7 =	simm.s32 $0x8;
	[sflag:s0] =	ssyncset.done $0x0  }
0x71: {  	s7 =	sand.u32 @!p0 $0x7, s7;
	s12 =	simm.s32 $0x2900;
	[sflag:s0] =	ssyncadd.s32 $0xFFFFF060  }
0x72: {  	[spmem:s2] =	stream.indirect.scatter.add.f32 [tilespmem:s31], [sflag:$0x2], $0x20, s12, s24, $0xb8;
	[tilespmem:$0x17500] =	vst v63  }
0x73: {  	s7 =	smul.u32 @!p0 $0x3E80, s7;
	s13 =	simm.s32 $0x380;
	s14 =	simm.s32 $0xBD60  }
0x74: {  	[tilespmem:s14], [sflag:$0x1] =	stream.indirect.gather [spmem:s3], $0x20, s13, s24, $0xb8;
	[tilespmem:$0x17500] =	vst v63  }
0x75: {  	s7 =	sshrl.u32 @!p0 s7, $0x2;
	_ =	swait.ge [sflag:s0], $0xFA0  }
0x76: {  	s7 =	sadd.s32 @!p0 $0x5000, s7;
	[sflag:s0] =	ssyncset.done $0x0  }
0x77: {  	s8 =	simm.s32 $0x2A00;
	s15 =	simm.s32 $0x2980;
	[sflag:s0] =	ssyncadd.s32 $0xFFFFF060  }
0x78: {  	[spmem:s2] =	stream.indirect.scatter.add.f32 [tilespmem:s1], [sflag:$0x2], $0x20, s15, s24, $0xb8;
	[tilespmem:$0x17500] =	vst v63  }
0x79: {  	s9 =	simm.s32 $0x400;
	s10 =	simm.s32 $0x9;
	_ =	swait.ge [sflag:s30], $0xFA0  }
0x7a: {  	s11 =	simm.s32 $0xA;
	s12 =	simm.s32 $0x4;
	[sflag:s30] =	ssyncset.done $0x0  }
0x7b: {  	s12 =	sand.u32 $0x7, s12;
	s13 =	simm.s32 @!p0 $0x7D;
	[sflag:s30] =	ssyncadd.s32 $0xFFFFF060  }
0x7c: {  	[tilespmem:s7], [sflag:$0x1] =	stream.indirect.gather @!p0 [spmem:s3], $0x20, s9, s13, $0xb8;
	[tilespmem:$0x17500] =	vst v63  }
0x7d: {  	s13 =	smul.u32 $0x3E80, s12;
	s9 =	simm.s32 $0x480;
	_ =	swait.ge [sflag:s0], $0xFA0  }
0x7e: {  	s12 =	simm.s32 $0x5;
	s7 =	simm.s32 $0x2A80;
	[sflag:s0] =	ssyncset.done $0x0  }
.LBB2_4:
0x7f: {  	p1 =	sgt.u32 s12, $0x4B  }
0x80: {  	s13 =	sshrl.u32 s13, $0x2;
	s14 =	smov.u32 s11;
	s11 =	sadd.s32 $0x1, s11  }
0x81: {  	p0 =	sne.s32 s11, $0x54;
	s10 =	sand.u32 @!p1 $0x7, s10;
	s13 =	sadd.s32 $0x5000, s13  }
0x82: {  	s15 =	smul.u32 @!p1 $0x3E80, s10;
	[sflag:s0] =	ssyncadd.s32 $0xFFFFF060;
	s10 =	smov.u32 s14  }
0x83: {  	[spmem:s2] =	stream.indirect.scatter.add.f32 [tilespmem:s13], [sflag:$0x2], $0x20, s8, s24, $0xb8;
	[tilespmem:$0x17500] =	vst v63  }
0x84: {  	s8 =	smov.u32 s7;
	_ =	swait.ge [sflag:s30], $0xFA0;
	s13 =	sshrl.u32 @!p1 s15, $0x2  }
.Ltmp1:
0x85: {  	[sflag:s30] =	ssyncset.done $0x0;
	s13 =	sadd.s32 @!p1 $0x5000, s13;
	(pc) =	sbr.rel @p0 .LBB2_4-.Ltmp1, $4  }
0x86: {  	s12 =	sand.u32 $0x7, s12;
	s14 =	simm.s32 @!p1 $0x7D;
	[sflag:s30] =	ssyncadd.s32 $0xFFFFF060  }
0x87: {  	[tilespmem:s13], [sflag:$0x1] =	stream.indirect.gather @!p1 [spmem:s3], $0x20, s9, s14, $0xb8;
	[tilespmem:$0x17500] =	vst v63  }
0x88: {  	s13 =	smul.u32 $0x3E80, s12;
	s9 =	sadd.s32 $0x80, s9;
	_ =	swait.ge [sflag:s0], $0xFA0  }
0x89: {  	s7 =	sadd.s32 $0x80, s7;
	s12 =	sadd.s32 $0xFFFFFFFC, s10;
	[sflag:s0] =	ssyncset.done $0x0  }
0x8a: {  	p0 =	sgt.u32 s12, $0x4B  }
0x8b: {  	s11 =	sshrl.u32 s13, $0x2;
	s10 =	sand.u32 @!p0 $0x7, s10  }
0x8c: {  	[sflag:s0] =	ssyncadd.s32 $0xFFFFF060;
	s11 =	sadd.s32 $0x5000, s11;
	s10 =	smul.u32 @!p0 $0x3E80, s10  }
0x8d: {  	[spmem:s2] =	stream.indirect.scatter.add.f32 [tilespmem:s11], [sflag:$0x2], $0x20, s8, s24, $0xb8;
	[tilespmem:$0x17500] =	vst v63  }
0x8e: {  	s12 =	sand.u32 $0x7, s12;
	_ =	swait.ge [sflag:s30], $0xFA0  }
0x8f: {  	s13 =	smul.u32 $0x3E80, s12;
	s8 =	sshrl.u32 @!p0 s10, $0x2;
	[sflag:s30] =	ssyncset.done $0x0  }
0x90: {  	s10 =	simm.s32 @!p0 $0x7D;
	s8 =	sadd.s32 @!p0 $0x5000, s8;
	[sflag:s30] =	ssyncadd.s32 $0xFFFFF060  }
0x91: {  	[tilespmem:s8], [sflag:$0x1] =	stream.indirect.gather @!p0 [spmem:s3], $0x20, s9, s10, $0xb8;
	[tilespmem:$0x17500] =	vst v63  }
0x92: {  	_ =	swait.ge [sflag:s0], $0xFA0  }
0x93: {  	s8 =	sshrl.u32 s13, $0x2;
	[sflag:s0] =	ssyncset.done $0x0  }
0x94: {  	s8 =	sadd.s32 $0x5000, s8;
	[sflag:s0] =	ssyncadd.s32 $0xFFFFF060  }
0x95: {  	[spmem:s2] =	stream.indirect.scatter.add.f32 [tilespmem:s8], [sflag:$0x2], $0x20, s7, s24, $0xb8;
	[tilespmem:$0x17500] =	vst v63  }
0x96: {  	_ =	swait.ge [sflag:s30], $0xFA0  }
0x97: {  	[sflag:s30] =	ssyncset.done $0x0  }
0x98: {  	[sflag:s30] =	ssyncadd.s32 $0xFFFFF060  }
0x99: {  	_ =	swait.ge [sflag:s30], $0xFA0  }
0x9a: {  	[sflag:s30] =	ssyncset.done $0x0  }
0x9b: {  	[sflag:s30] =	ssyncadd.s32 $0xFFFFF060  }
0x9c: {  	_ =	swait.ge [sflag:s30], $0xFA0  }
0x9d: {  	[sflag:s30] =	ssyncset.done $0x0  }
0x9e: {  	[sflag:s30] =	ssyncadd.s32 $0xFFFFF060  }
0x9f: {  	_ =	swait.ge [sflag:s30], $0xFA0  }
0xa0: {  	[sflag:s30] =	ssyncset.done $0x0  }
0xa1: {  	[sflag:s30] =	ssyncadd.s32 $0xFFFFF060  }
0xa2: {  	[bflag:$0x0] =	sbarrier.arrive $0xFFFF  }
0xa3: {  	s14 =	rddreg [dreg:$0x8]  }
0xa4: {  	[hbm:s14], [sflag:s6] =	dma.local [spmem:s25], $0xA00  }
0xa5: {  	_ =	swait.ge [sflag:s21], $0xA00  }
0xa6: {  	s28 =	sadd.s32 $0x1, s28;
	s15 =	rddreg [dreg:$0x9]  }
0xa7: {  	p0 =	sne.s32 s28, s15  }
.Ltmp2:
0xa8: {  	_ = 	snop;
	(pc) =	sbr.rel @p0 .LBB2_1-.Ltmp2, $3  }
0xa9: {  	_ =	sdelay $0x1  }
0xaa: {  	[sflag:s21] =	ssyncset.done $0x0  }
0xab: {  	[sflag:s21] =	ssyncadd.s32 $0xFFFFF600  }
0xac: {  	_ =	sfence.sel $0x180000  }
0xad: {  	[bflag:$0x0] =	sbarrier.arrive $0xFFFF  }
0xae: {  	_ =	strace $0x9000004D  }
0xaf: {  	s0 =	stileid.u32;
	[bflag:$0x2] =	sbarrier.arrive $0xFFFF  }
0xb0: {  	p0 =	sne.s32 s0, $0x0;
	s0 =	rddreg [dreg:$0x4]  }
0xb1: {  	s0 =	sadd.s32 @!p0 $0x100000, s0  }
0xb2: {  	[sflag:s0] =	ssyncadd.tile.s32 @!p0 $0x1;
	_ =	shalt  }
.Lfunc_end2:
_tile_overlayer_lowered:
.L_overlay_start_2:
0xb3: {  	(tag) =	ssettag $0x2  }
0xb4: {  	s0 =	rddreg [dreg:$0x0];
	s2 =	stileid.u32  }
0xb5: {  	s1 =	rddreg [dreg:$0x1];
	p0 =	sne.s32 s2, $0x0  }
0xb6: {  	s3 =	rddreg [dreg:$0x2];
	[bflag:$0x3] =	sbarrier.arrive $0xFFFF;
	s2 =	simm.s32 @!p0 $0x1C03  }
0xb7: {  	[timem:s3], [sflag:s2] =	dma.local @!p0 [hbm:s0], s1  }
0xb8: {  	s0 =	simm.s32 @!p0 $0x3  }
0xb9: {  	_ =	swait.ge @!p0 [sflag:s0], s1  }
0xba: {  	s1 =	ssub.s32 @!p0 $0x0, s1;
	[sflag:s0] =	ssyncset.done @!p0 $0x0  }
0xbb: {  	[sflag:s0] =	ssyncadd.s32 @!p0 s1  }
0xbc: {  	[bflag:$0x3] =	sbarrier.arrive $0xFFFF  }
0xbd: {  	_ =	shalt  }

// kernel: kernel.8.cloned.1.call-start
scs
__scs_entry_jumppad:
0x0: {  	(pc) =	sbr.rel $0x88, $3  }
0x1: {  	(tag) =	ssettag $0x0;
	lr =	simm.s32 $0x1  }
0x2: {  	[smem:$0x3F99] =	sst lr;
	_ =	strace $0xD0000000  }
0x3: {  	_ = 	snop  }
0x4: {  	_ = 	snop  }
0x5: {  	_ = 	snop  }
0x6: {  	_ = 	snop  }
0x7: {  	_ = 	snop  }
__scs_overlays_trampoline_lowered:
0x8: {  	[smem:$0x3FA8] =	sst s0  }
0x9: {  	[smem:$0x3FA9] =	sst s1  }
0xa: {  	[smem:$0x3FAA] =	sst s2  }
0xb: {  	[smem:$0x3FAB] =	sst s3  }
0xc: {  	[smem:$0x3FAC] =	sst s4  }
0xd: {  	[smem:$0x3FAD] =	sst s5  }
0xe: {  	[smem:$0x3FAE] =	sst s6  }
0xf: {  	[smem:$0x3FAF] =	sst s7  }
0x10: {  	[smem:$0x3FB0] =	sst s8  }
0x11: {  	[smem:$0x3FB1] =	sst s9;
	s0 =	simm.s32 @!p0 $0x0  }
0x12: {  	s1 =	sld [smem:$0x3F97];
	s0 =	simm.s32 @p0 $0x1  }
0x13: {  	[smem:$0x3FB2] =	sst s0;
	s0 =	simm.s32 @!p1 $0x0  }
0x14: {  	s2 =	sld [smem:$0x3F96];
	s0 =	simm.s32 @p1 $0x1  }
0x15: {  	[smem:$0x3FB3] =	sst s0;
	s0 =	simm.s32 @!p2 $0x0  }
0x16: {  	s3 =	sld [smem:$0x3FDB];
	s0 =	simm.s32 @p2 $0x1  }
0x17: {  	s4 =	simm.s32 $0x1BF5;
	[smem:$0x3FB5] =	sst s0  }
0x18: {  	s0 =	sld [smem:$0x3F98];
	_ =	swait.ge [sflag:s4], $0x0  }
0x19: {  	s7 =	sld [smem:$0x3F99]  }
0x1a: {  	s8 =	sadd.s32 $0xFFFFE003, lr  }
0x1b: {  	s9 =	sadd.s32 $0xFFFFFEF7, lr;
	s5 =	simm.s32 $0xFFFFFFFF;
	p2 =	slt.u32 s8, $0xFFFFF086  }
0x1c: {  	p1 =	slt.u32 s9, $0xF7A;
	s5 =	simm.s32 @!p2 $0x0  }
0x1d: {  	s5 =	simm.s32 @p1 $0x1;
	p0 =	seq.s32 s7, s2  }
0x1e: {  	s7 =	smul.u32 @!p0 $0xF7A, s2;
	p2 =	seq.s32 @!p0 s5, $0x0  }
0x1f: {  	s9 =	smul.u32 $0xF7A, s1;
	s8 =	simm.s32 @!p0 $0x1BF5;
	p2 =	por !p2, p0  }
0x20: {  	[sflag:s8] =	ssyncset.s32 @!p0 $0xFFFFF086;
	s6 =	sadd.s32 @!p0 s3, s7;
	s7 =	simm.s32 @!p0 $0x108  }
0x21: {  	s3 =	sadd.s32 s3, s9;
	s6 =	sadd.s32 @!p0 $0x88, s6;
	s7 =	simm.s32 @p2 $0x1082  }
0x22: {  	[simem:s7], [sflag:s8] =	dma.local @!p0 [hbm:s6], $0xF7A  }
0x23: {  	s9 =	sor.u32 $0xD0000000, s2;
	s6 =	simm.s32 $0x108;
	_ =	swait.ge @!p0 [sflag:s8], $0x0  }
0x24: {  	s3 =	sadd.s32 $0x88, s3;
	s6 =	simm.s32 @!p1 $0x1082;
	[sflag:s4] =	ssyncset.s32 $0xFFFFF086  }
0x25: {  	[simem:s6], [sflag:s4] =	dma.local [hbm:s3], $0xF7A  }
0x26: {  	[smem:$0x3F99] =	sst s1;
	(tag) =	ssettag s2;
	_ =	strace s9  }
0x27: {  	s1 =	sld [smem:$0x3FA9]  }
0x28: {  	s2 =	sld [smem:$0x3FAA]  }
0x29: {  	s4 =	sld [smem:$0x3FAC]  }
0x2a: {  	p0 =	seq.s32 s5, $0x0;
	s5 =	sld [smem:$0x3FAD]  }
0x2b: {  	s6 =	sld [smem:$0x3FAE]  }
0x2c: {  	s7 =	sld [smem:$0x3FAF]  }
0x2d: {  	s3 =	simm.s32 $0x108;
	s8 =	sld [smem:$0x3FB0]  }
0x2e: {  	s3 =	simm.s32 @!p0 $0x1082;
	s9 =	sld [smem:$0x3FB1]  }
0x2f: {  	lr =	sadd.s32 s0, s3;
	s0 =	sld [smem:$0x3FA8]  }
0x30: {  	s3 =	sld [smem:$0x3FAB]  }
0x31: {  	[smem:$0x3FB4] =	sst s10  }
0x32: {  	s10 =	sld [smem:$0x3FB2];
	_ =	sdelay $0x3  }
0x33: {  	p0 =	seq.s32 s10, $0x1;
	s10 =	sld [smem:$0x3FB4];
	_ =	sdelay $0x3  }
0x34: {  	[smem:$0x3FB4] =	sst s10  }
0x35: {  	s10 =	sld [smem:$0x3FB3];
	_ =	sdelay $0x3  }
0x36: {  	p1 =	seq.s32 s10, $0x1;
	s10 =	sld [smem:$0x3FB4];
	_ =	sdelay $0x3  }
0x37: {  	[smem:$0x3FB4] =	sst s10  }
0x38: {  	s10 =	sld [smem:$0x3FB5]  }
0x39: {  	_ = 	snop;
	(pc) =	sbr.ind lr, $3  }
0x3a: {  	_ = 	snop  }
0x3b: {  	_ = 	snop  }
0x3c: {  	p2 =	seq.s32 s10, $0x1;
	s10 =	sld [smem:$0x3FB4]  }
0x3d: {  	_ =	shalt  }
0x3e: {  	_ =	shalt  }
0x3f: {  	_ =	shalt  }
0x40: {  	_ =	shalt  }
0x41: {  	_ =	shalt  }
0x42: {  	_ =	shalt  }
0x43: {  	_ =	shalt  }
0x44: {  	_ =	shalt  }
0x45: {  	_ =	shalt  }
0x46: {  	_ =	shalt  }
0x47: {  	_ =	shalt  }
0x48: {  	_ =	shalt  }
0x49: {  	_ =	shalt  }
0x4a: {  	_ =	shalt  }
0x4b: {  	_ =	shalt  }
0x4c: {  	_ =	shalt  }
0x4d: {  	_ =	shalt  }
0x4e: {  	_ =	shalt  }
0x4f: {  	_ =	shalt  }
0x50: {  	_ =	shalt  }
0x51: {  	_ =	shalt  }
0x52: {  	_ =	shalt  }
0x53: {  	_ =	shalt  }
0x54: {  	_ =	shalt  }
0x55: {  	_ =	shalt  }
0x56: {  	_ =	shalt  }
0x57: {  	_ =	shalt  }
0x58: {  	_ =	shalt  }
0x59: {  	_ =	shalt  }
0x5a: {  	_ =	shalt  }
0x5b: {  	_ =	shalt  }
0x5c: {  	_ =	shalt  }
0x5d: {  	_ =	shalt  }
0x5e: {  	_ =	shalt  }
0x5f: {  	_ =	shalt  }
0x60: {  	_ =	shalt  }
0x61: {  	_ =	shalt  }
0x62: {  	_ =	shalt  }
0x63: {  	_ =	shalt  }
0x64: {  	_ =	shalt  }
0x65: {  	_ =	shalt  }
0x66: {  	_ =	shalt  }
0x67: {  	_ =	shalt  }
0x68: {  	_ =	shalt  }
0x69: {  	_ =	shalt  }
0x6a: {  	_ =	shalt  }
0x6b: {  	_ =	shalt  }
0x6c: {  	_ =	shalt  }
0x6d: {  	_ =	shalt  }
0x6e: {  	_ =	shalt  }
0x6f: {  	_ =	shalt  }
0x70: {  	_ =	shalt  }
0x71: {  	_ =	shalt  }
0x72: {  	_ =	shalt  }
0x73: {  	_ =	shalt  }
0x74: {  	_ =	shalt  }
0x75: {  	_ =	shalt  }
0x76: {  	_ =	shalt  }
0x77: {  	_ =	shalt  }
0x78: {  	_ =	shalt  }
0x79: {  	_ =	shalt  }
0x7a: {  	_ =	shalt  }
0x7b: {  	_ =	shalt  }
0x7c: {  	_ =	shalt  }
0x7d: {  	_ =	shalt  }
0x7e: {  	_ =	shalt  }
0x7f: {  	_ =	shalt  }
0x80: {  	_ =	shalt  }
0x81: {  	_ =	shalt  }
0x82: {  	_ =	shalt  }
0x83: {  	_ =	shalt  }
0x84: {  	_ =	shalt  }
0x85: {  	_ =	shalt  }
0x86: {  	_ =	shalt  }
0x87: {  	_ =	shalt  }
.Lfunc_end0:
.L_simem_size_0:
called_computation_lowered:
.L_overlay_start_0:
0x88: {  	s2 =	sld [smem:$0x3FD9]  }
0x89: {  	s3 =	sld [smem:$0x3FFE];
	_ =	sdelay $0x1  }
0x8a: {  	s1 =	srdreg.scid  }
0x8b: {  	s0 =	sand.u32 $0x1, s1  }
0x8c: {  	s17 =	sshll.u32 s0, $0xA;
	s2 =	sadd.s32 s3, s2  }
0x8d: {  	s2 =	sadd.s32 s2, s17  }
0x8e: {  	[smem:$0x3FC0] =	sst s2  }
0x8f: {  	_ = 	snop  }
0x90: {  	s2 =	sld [smem:$0x3FD0];
	(tm) =	ssettm $0x1  }
0x91: {  	s18 =	sld [smem:$0x3FFB];
	_ =	sdelay $0x3  }
0x92: {  	_ =	strace s18  }
0x93: {  	s3 =	sld [smem:$0x3FFC];
	_ =	sdelay $0x3  }
0x94: {  	_ =	strace s3  }
0x95: {  	s3 =	sld [smem:$0x3FFD];
	_ =	sdelay $0x3  }
0x96: {  	_ =	strace s3  }
0x97: {  	_ =	strace $0x8FFFFFFF  }
0x98: {  	s19 =	sld [smem:$0x3FDB];
	_ =	sdelay $0x1  }
0x99: {  	s4 =	simm.s32 $_scs_section_size  }
0x9a: {  	s5 =	simm.s32 $_size__tile_overlayer_lowered;
	s6 =	simm.s32 $_tile_overlayer_lowered  }
0x9b: {  	s22 =	simm.s32 $0x1BFF;
	s21 =	sshll.u32 s6, $0x1;
	s3 =	sadd.s32 s4, s19  }
0x9c: {  	s7 =	simm.s32 $0x0;
	s20 =	sshll.u32 s5, $0x1;
	s5 =	sadd.s32 s21, s3  }
0x9d: {  	[timem:s7], [sflag:s22] =	dma.local [hbm:s5], s20  }
0x9e: {  	_ =	swait.ge [sflag:s22], s20  }
0x9f: {  	s4 =	ssub.s32 $0x0, s20;
	[sflag:s22] =	ssyncset.done $0x0  }
0xa0: {  	[sflag:s22] =	ssyncadd.s32 s4;
	_ =	sdelay $0x1  }
0xa1: {  	s23 =	simm.s32 $0x1B8B  }
0xa2: {  	_ =	swait.ge [sflag:s23], $0x1  }
0xa3: {  	[sflag:s23] =	ssyncset.done $0x0  }
0xa4: {  	s25 =	simm.s32 $0x1B8E;
	s24 =	sld [smem:$0x3FFE];
	[sflag:s23] =	ssyncadd.s32 $0xFFFFFFFF  }
0xa5: {  	s26 =	simm.s32 $execute0_lowered;
	[smem:$0x3FD2] =	sst s25  }
0xa6: {  	s5 =	sshll.u32 s26, $0x1;
	_ =	strace $0x80000046;
	[dreg:$0x1] =	wrdreg $0xFFFFFFFF  }
0xa7: {  	s28 =	simm.s32 $_size_execute0_lowered;
	s3 =	sadd.s32 s3, s5;
	[dreg:$0x0] =	wrdreg $0x0  }
0xa8: {  	s5 =	sshll.u32 s28, $0x1;
	[dreg:$0x2] =	wrdreg s3  }
0xa9: {  	[dreg:$0x3] =	wrdreg s5  }
0xaa: {  	[dreg:$0x4] =	wrdreg $0xC0  }
0xab: {  	_ =	task [dreg:s7], $0x5FFFF  }
0xac: {  	[dreg:$0x1] =	wrdreg $0xFFFFFFFF  }
0xad: {  	[dreg:$0x0] =	wrdreg $0x60  }
0xae: {  	[dreg:$0x2] =	wrdreg s2  }
0xaf: {  	[dreg:$0x3] =	wrdreg s24  }
0xb0: {  	[dreg:$0x4] =	wrdreg $0x2B000  }
0xb1: {  	[dreg:$0x5] =	wrdreg $0x9  }
0xb2: {  	_ =	task.clear_ibuf [dreg:s7], $0x6FFFF;
	_ =	strace $0x90000046  }
0xb3: {  	s29 =	simm.s32 $0x9;
	_ =	strace $0x80000048  }
0xb4: {  	_ =	swait.ge [sflag:s29], $0x1  }
0xb5: {  	[sflag:s29] =	ssyncadd.s32 $0xFFFFFFFF  }
0xb6: {  	_ =	strace $0x90000048  }
0xb7: {  	_ =	sfence  }
0xb8: {  	s30 =	sld [smem:$0x0];
	_ =	sdelay $0x2  }
0xb9: {  	s31 =	sshll.u32 s1, $0xD;
	s1 =	sshrl.u32 s1, $0x2  }
0xba: {  	s3 =	sand.u32 $0x4000, s31;
	s1 =	sadd.s32 s1, s30  }
0xbb: {  	s0 =	sor.u32 s3, s0;
	s1 =	sshll.u32 s1, $0x11  }
0xbc: {  	s0 =	sor.u32 s1, s0  }
0xbd: {  	s0 =	sadd.s32 $0x8F2B, s0  }
0xbe: {  	[sflag:s0] =	ssyncadd.remote.s32 $0x1  }
0xbf: {  	_ =	sfence.sel $0xFFFF  }
0xc0: {  	[dreg:$0x0] =	wrdreg $0xFFFFFFFF;
	(pc) =	sbr.abs _section_cstart, $3  }
0xc1: {  	[dreg:$0x1] =	wrdreg $0xFFFFFFFF  }
0xc2: {  	_ =	task.clear_ibuf [dreg:s7], $0x2FFFF;
	_ =	strace $0x9FFFFFFF  }
0xc3: {  	(tm) =	ssettm $0x7FFFFFFF  }
tec
execute0_lowered:
.L_overlay_start_1:
0x0: {  	(tag) =	ssettag $0x1  }
0x1: {  	s5 =	rddreg [dreg:$0x0]  }
0x2: {  	s4 =	rddreg [dreg:$0x1]  }
0x3: {  	s2 =	rddreg [dreg:$0x2]  }
0x4: {  	s0 =	rddreg [dreg:$0x3]  }
0x5: {  	s3 =	simm.s32 $0x0;
	s6 =	srdreg.scid;
	s1 =	stileid.u32  }
0x6: {  	s11 =	simm.s32 $0x2800;
	s14 =	simm.s32 $0x20;
	s15 =	simm.s32 $0x10  }
0x7: {  	s16 =	simm.s32 $0x0;
	[smem:$0x7FF] =	sst s3;
	s7 =	smul.u32 $0x500, s1  }
0x8: {  	s6 =	sand.u32 $0x1, s6;
	s30 =	smul.u32 $0xA00, s1;
	s12 =	sshll.u32 s1, $0x6  }
0x9: {  	_ =	strace $0x80000047;
	s8 =	sshll.u32 s6, $0x7;
	s9 =	sshll.u32 s6, $0x4  }
0xa: {  	s6 =	ssub.s32 $0x2, s6;
	s12 =	sor.u32 $0x1C01, s12;
	s7 =	sor.u32 s8, s7  }
0xb: {  	s29 =	sor.u32 s1, s9;
	s31 =	sshrl.u32 s6, $0x1;
	s9 =	sshrl.u32 s30, $0x2  }
0xc: {  	s7 =	sshrl.u32 s7, $0x3;
	s8 =	smul.u32 $0x500, s29;
	s10 =	ssub.s32 s6, s31  }
0xd: {  	s7 =	sadd.s32 s7, s4;
	s4 =	sadd.s32 s9, s2;
	s9 =	simm.s32 $0x1  }
0xe: {  	s5 =	sadd.s32 s5, s8;
	s6 =	sadd.s32 $0x1E00, s7;
	s7 =	smax.u32 s10, $0x1  }
0xf: {  	v0 =	vimm.f32 $1.000000000e+00;
	v1 =	vimm.f32 $0.0e+00;
	s8 =	simm.s32 $0x2880;
	s10 =	simm.s32 $0x7D;
	s13 =	sshrl.u32 s4, $0x3  }
.LBB2_1:
0x10: {  	[tilespmem:$0x2800] =	vst v0  }
0x11: {  	[tilespmem:$0x2810] =	vst v0  }
0x12: {  	[tilespmem:$0x2820] =	vst v0  }
0x13: {  	[tilespmem:$0x2830] =	vst v0  }
0x14: {  	[tilespmem:$0x2840] =	vst v0  }
0x15: {  	[tilespmem:$0x2850] =	vst v0  }
0x16: {  	[tilespmem:$0x2860] =	vst v0  }
0x17: {  	[tilespmem:$0x2870] =	vst v0  }
0x18: {  	[tilespmem:$0x2880] =	vst v1  }
0x19: {  	[tilespmem:$0x2890] =	vst v1  }
0x1a: {  	[tilespmem:$0x28A0] =	vst v1  }
0x1b: {  	[tilespmem:$0x28B0] =	vst v1  }
0x1c: {  	[tilespmem:$0x28C0] =	vst v1  }
0x1d: {  	[tilespmem:$0x28D0] =	vst v1  }
0x1e: {  	[tilespmem:$0x28E0] =	vst v1  }
0x1f: {  	[tilespmem:$0x28F0] =	vst v1  }
0x20: {  	[tilespmem:$0x2900] =	vst v1  }
0x21: {  	[tilespmem:$0x2910] =	vst v1  }
0x22: {  	[tilespmem:$0x2920] =	vst v1  }
0x23: {  	[tilespmem:$0x2930] =	vst v1  }
0x24: {  	[tilespmem:$0x2940] =	vst v1  }
0x25: {  	[tilespmem:$0x2950] =	vst v1  }
0x26: {  	[tilespmem:$0x2960] =	vst v1  }
0x27: {  	[tilespmem:$0x2970] =	vst v1  }
0x28: {  	[tilespmem:$0x2980] =	vst v1  }
0x29: {  	[tilespmem:$0x2990] =	vst v1  }
0x2a: {  	[tilespmem:$0x29A0] =	vst v1  }
0x2b: {  	[tilespmem:$0x29B0] =	vst v1  }
0x2c: {  	[tilespmem:$0x29C0] =	vst v1  }
0x2d: {  	[tilespmem:$0x29D0] =	vst v1  }
0x2e: {  	[tilespmem:$0x29E0] =	vst v1  }
0x2f: {  	[tilespmem:$0x29F0] =	vst v1  }
0x30: {  	[tilespmem:$0x2A00] =	vst v1  }
0x31: {  	[tilespmem:$0x2A10] =	vst v1  }
0x32: {  	[tilespmem:$0x2A20] =	vst v1  }
0x33: {  	[tilespmem:$0x2A30] =	vst v1  }
0x34: {  	[tilespmem:$0x2A40] =	vst v1  }
0x35: {  	[tilespmem:$0x2A50] =	vst v1  }
0x36: {  	[tilespmem:$0x2A60] =	vst v1  }
0x37: {  	[tilespmem:$0x2A70] =	vst v1  }
0x38: {  	[tilespmem:$0x2A80] =	vst v1  }
0x39: {  	[tilespmem:$0x2A90] =	vst v1  }
0x3a: {  	[tilespmem:$0x2AA0] =	vst v1  }
0x3b: {  	[tilespmem:$0x2AB0] =	vst v1  }
0x3c: {  	[tilespmem:$0x2AC0] =	vst v1  }
0x3d: {  	[tilespmem:$0x2AD0] =	vst v1  }
0x3e: {  	[tilespmem:$0x2AE0] =	vst v1  }
0x3f: {  	[tilespmem:$0x2AF0] =	vst v1  }
0x40: {  	[spmem:s4] =	stream.linear.scatter [tilespmem:s8], [sflag:$0x1], $0x280, $0x38;
	[tilespmem:$0x2D80] =	vst v63  }
0x41: {  	_ =	swait.ge [sflag:s9], $0x280  }
0x42: {  	[sflag:s9] =	ssyncset.done $0x0  }
0x43: {  	[sflag:s9] =	ssyncadd.s32 $0xFFFFFD80  }
0x44: {  	[bflag:$0x0] =	sbarrier.arrive $0xFFFF  }
0x45: {  	[tilespmem:s3], [sflag:$0x1] =	stream.linear.gather [hbm4b:s5+s3], $0x2800, $0x38;
	[tilespmem:$0x2D80] =	vst v63  }
0x46: {  	_ =	swait.ge [sflag:s9], $0x2800  }
0x47: {  	[sflag:s9] =	ssyncset.done $0x0  }
0x48: {  	s17 =	simm.s32 $0x0;
	[sflag:s9] =	ssyncadd.s32 $0xFFFFD800  }
0x49: {  	[spmem:s2] =	stream.indirect.scatter.add.f32 [tilespmem:s11], [sflag:$0x1], $0x1, s17, s10, $0xb8;
	[tilespmem:$0x2D80] =	vst v63  }
0x4a: {  	_ =	swait.ge [sflag:s9], $0x7D  }
0x4b: {  	s17 =	simm.s32 $0x200;
	[sflag:s9] =	ssyncset.done $0x0  }
.LBB2_2:
0x4c: {  	s18 =	sshra.s32 s17, $0x2;
	[sflag:s9] =	ssyncadd.s32 $0xFFFFFF83;
	p0 =	sne.s32 s17, $0x9E00  }
0x4d: {  	[spmem:s2] =	stream.indirect.scatter.add.f32 [tilespmem:s11], [sflag:$0x1], $0x1, s18, s10, $0xb8;
	[tilespmem:$0x2D80] =	vst v63  }
.Ltmp0:
0x4e: {  	_ = 	snop;
	(pc) =	sbr.rel @p0 .LBB2_2-.Ltmp0, $4  }
0x4f: {  	_ = 	snop  }
0x50: {  	s17 =	sadd.s32 $0x200, s17  }
0x51: {  	_ =	swait.ge [sflag:s9], $0x7D  }
0x52: {  	[sflag:s9] =	ssyncset.done $0x0  }
0x53: {  	s16 =	sadd.s32 $0x1, s16  }
0x54: {  	[sflag:s9] =	ssyncadd.s32 $0xFFFFFF83;
	p0 =	sne.s32 s16, s7  }
.Ltmp1:
0x55: {  	[bflag:$0x0] =	sbarrier.arrive $0xFFFF;
	(pc) =	sbr.rel @p0 .LBB2_1-.Ltmp1, $4  }
0x56: {  	[hbm:s6@s14], [sflag:s12] =	dma.strided [spmem:s13@s15], $0x50, s9, $0x10   }
0x57: {  	_ =	swait.ge [sflag:s9], $0x50  }
0x58: {  	[sflag:s9] =	ssyncset.done $0x0  }
0x59: {  	[sflag:s9] =	ssyncadd.s32 $0xFFFFFFB0  }
0x5a: {  	_ =	sfence.sel $0x180000  }
0x5b: {  	[bflag:$0x0] =	sbarrier.arrive $0xFFFF  }
0x5c: {  	p0 =	sne.s32 s1, $0x0;
	_ =	strace $0x90000047  }
0x5d: {  	s0 =	sadd.s32 @!p0 $0x100000, s0;
	[bflag:$0x2] =	sbarrier.arrive $0xFFFF  }
0x5e: {  	[sflag:s0] =	ssyncadd.tile.s32 @!p0 $0x1;
	_ =	shalt  }
.Lfunc_end2:
_tile_overlayer_lowered:
.L_overlay_start_2:
0x5f: {  	(tag) =	ssettag $0x2  }
0x60: {  	s0 =	rddreg [dreg:$0x0];
	s2 =	stileid.u32  }
0x61: {  	s1 =	rddreg [dreg:$0x1];
	p0 =	sne.s32 s2, $0x0  }
0x62: {  	s3 =	rddreg [dreg:$0x2];
	[bflag:$0x3] =	sbarrier.arrive $0xFFFF;
	s2 =	simm.s32 @!p0 $0x1C01  }
0x63: {  	[timem:s3], [sflag:s2] =	dma.local @!p0 [hbm:s0], s1  }
0x64: {  	s0 =	simm.s32 @!p0 $0x1  }
0x65: {  	_ =	swait.ge @!p0 [sflag:s0], s1  }
0x66: {  	s1 =	ssub.s32 @!p0 $0x0, s1;
	[sflag:s0] =	ssyncset.done @!p0 $0x0  }
0x67: {  	[sflag:s0] =	ssyncadd.s32 @!p0 s1  }
0x68: {  	[bflag:$0x3] =	sbarrier.arrive $0xFFFF  }
0x69: {  	_ =	shalt  }

</sc_bundles>
